<compile_context>
chip_gen: v7x
topology: tpu7x:2x2x1
jax: 0.10.2.dev20260603
libtpu: 0.0.44.dev20260713+nightly
codegen_flags: <defaults>
</compile_context>

<pallas_src>
import functools

import jax
import jax.numpy as jnp
from jax import lax
from jax.experimental import pallas as pl
from jax.experimental.pallas import tpu as pltpu
from jax.experimental.pallas import tpu_sc as plsc

B = 4
R = 4096
C = 2048
N = R * C
K = int(N * 0.8)
M = N - K

SHIFT = 20
NB = 2048
LANES = 16
NC = 2
NS = 16
NW = NC * NS
WPR = NW // B
EPW = N // WPR
CH = 16384
NCH = EPW // CH
VPC = CH // LANES


def _loss_body(p_ref, t_ref, o_ref):
    p = p_ref[...]
    t = t_ref[...]
    l = (jnp.maximum(p, 0.0) - p * t
         + jnp.log(1.0 + jnp.exp(-jnp.abs(p))))
    r = lax.bitcast_convert_type(l, jnp.int32) + jnp.int32(0x8000)
    hi = r[:, :, : C // 2] & jnp.int32(-65536)
    lo = lax.shift_right_logical(r[:, :, C // 2:], 16)
    o_ref[...] = hi | lo


_BR = 512
NP = 1
BC = B // NP
CW = C // 2


def _make_loss_call(off):
    return pl.pallas_call(
        _loss_body,
        grid=(BC, R // _BR),
        in_specs=[
            pl.BlockSpec((1, _BR, C), lambda b, r, off=off: (b + off, r, 0)),
            pl.BlockSpec((1, _BR, C), lambda b, r, off=off: (b + off, r, 0)),
        ],
        out_specs=pl.BlockSpec((1, _BR, CW), lambda b, r: (b, r, 0)),
        out_shape=jax.ShapeDtypeStruct((BC, R, CW), jnp.int32),
    )


_loss_calls = [_make_loss_call(ci * BC) for ci in range(NP)]


_mesh = plsc.VectorSubcoreMesh(
    core_axis_name="c", subcore_axis_name="s",
    num_cores=NC, num_subcores=NS)


def _make_sc_hist(nrows):
    epw = nrows * (N // 2) // NW
    nch = epw // CH

    @functools.partial(
        pl.kernel,
        out_type=(
            jax.ShapeDtypeStruct((NW, LANES, NB), jnp.float32),
            jax.ShapeDtypeStruct((NW, LANES, NB), jnp.float32),
        ),
        mesh=_mesh,
        scratch_types=[
            pltpu.VMEM((CH,), jnp.int32),
            pltpu.VMEM((CH,), jnp.int32),
            pltpu.VMEM((LANES, NB), jnp.float32),
            pltpu.VMEM((LANES, NB), jnp.float32),
            pltpu.SemaphoreType.DMA,
            pltpu.SemaphoreType.DMA,
        ],
        compiler_params=pltpu.CompilerParams(
            needs_layout_passes=False, use_tc_tiling_on_sc=False),
    )
    def _sc_hist(loss_hbm, cnt_hbm, sum_hbm,
                 buf0, buf1, cnt_v, sum_v, sem0, sem1):
        wid = lax.axis_index("c") * NS + lax.axis_index("s")
        base = wid * epw

        zeros16 = jnp.zeros((LANES,), jnp.float32)

        def _zinit(i, carry):
            for r in range(LANES):
                cnt_v[r, pl.ds(i * LANES, LANES)] = zeros16
                sum_v[r, pl.ds(i * LANES, LANES)] = zeros16
            return carry

        lax.fori_loop(0, NB // LANES, _zinit, 0)

        lane = lax.iota(jnp.int32, LANES)
        ones16 = jnp.ones((LANES,), jnp.float32)

        def _start(buf, sem, ci):
            pltpu.async_copy(loss_hbm.at[pl.ds(base + ci * CH, CH)], buf, sem)

        def _wait(buf, sem, ci):
            pltpu.make_async_copy(
                loss_hbm.at[pl.ds(base + ci * CH, CH)], buf, sem).wait()

        U = 16

        def _proc(buf):
            @plsc.parallel_loop(0, VPC, 1, unroll=U)
            def _vec(vi):
                v = buf[pl.ds(vi * LANES, LANES)]
                vhi = lax.bitcast_convert_type(v & jnp.int32(-65536),
                                               jnp.float32)
                vlo = lax.bitcast_convert_type(
                    lax.shift_left(v, 16), jnp.float32)
                bin_hi = lax.shift_right_logical(v, SHIFT)
                bin_lo = (lax.shift_right_logical(v, SHIFT - 16)
                          & jnp.int32(NB - 1))
                plsc.addupdate_scatter(cnt_v, [lane, bin_hi], ones16)
                plsc.addupdate_scatter(sum_v, [lane, bin_hi], vhi)
                plsc.addupdate_scatter(cnt_v, [lane, bin_lo], ones16)
                plsc.addupdate_scatter(sum_v, [lane, bin_lo], vlo)

        _start(buf0, sem0, 0)

        def _pair(pj, carry):
            c0 = pj * 2
            _wait(buf0, sem0, c0)
            _start(buf1, sem1, c0 + 1)
            _proc(buf0)
            _wait(buf1, sem1, c0 + 1)

            @pl.when(c0 + 2 < nch)
            def _():
                _start(buf0, sem0, c0 + 2)

            _proc(buf1)
            return carry

        lax.fori_loop(0, nch // 2, _pair, 0)

        pltpu.sync_copy(cnt_v, cnt_hbm.at[wid])
        pltpu.sync_copy(sum_v, sum_hbm.at[wid])

    return _sc_hist


_sc_hist_chunk = _make_sc_hist(BC)


def _select_body(*refs):
    cnt_refs = refs[:NP]
    sum_refs = refs[NP:2 * NP]
    o_ref = refs[2 * NP]
    hpr = (NW // BC) * LANES
    c4 = jnp.concatenate(
        [r[...].reshape(BC, hpr, NB).sum(axis=1) for r in cnt_refs], axis=0)
    s4 = jnp.concatenate(
        [r[...].reshape(BC, hpr, NB).sum(axis=1) for r in sum_refs], axis=0)

    jj = lax.broadcasted_iota(jnp.int32, (NB, NB), 0)
    bb = lax.broadcasted_iota(jnp.int32, (NB, NB), 1)
    lt = (jj <= bb).astype(jnp.float32)
    pc = jax.lax.dot(c4, lt, precision=jax.lax.Precision.HIGHEST)
    ps = jax.lax.dot(s4, lt, precision=jax.lax.Precision.HIGHEST)
    total_s = ps[:, NB - 1]

    m = jnp.float32(M)
    cb = pc - c4
    star = jnp.logical_and(cb <= m, pc >= m + 1.0).astype(jnp.float32)

    bidx = lax.broadcasted_iota(jnp.int32, (B, NB), 1)
    lo = lax.bitcast_convert_type(bidx << SHIFT, jnp.float32)
    hi = lax.bitcast_convert_type((bidx + 1) << SHIFT, jnp.float32)
    w = jnp.maximum(hi - lo, 0.0)

    c_star = jnp.sum(star * c4, axis=1)
    cb_star = jnp.sum(star * cb, axis=1)
    s_star = jnp.sum(star * s4, axis=1)
    ps_star = jnp.sum(star * ps, axis=1)
    w_star = jnp.sum(star * w, axis=1)

    kept = c_star - (m - cb_star)
    sum_above = total_s - ps_star
    avg = s_star / c_star
    partial = kept * (avg + w_star * (c_star - kept) / (2.0 * c_star))
    result = jnp.sum(sum_above + partial) / jnp.float32(B * K)
    o_ref[...] = result.reshape(1, 1)


_select_call = pl.pallas_call(
    _select_body,
    out_shape=jax.ShapeDtypeStruct((1, 1), jnp.float32),
)


def kernel(pred, true):
    cnts, sums = [], []
    for ci in range(NP):
        loss = _loss_calls[ci](pred, true)
        cnt, ssum = _sc_hist_chunk(loss.reshape(BC * N // 2))
        cnts.append(cnt.reshape(NW * LANES, NB))
        sums.append(ssum.reshape(NW * LANES, NB))
    out = _select_call(*cnts, *sums)
    return out.reshape(())

# --- scband reference (transcript-rebuilt; emitter-appended) ---
"""Pipeline reference for scband-lrm-49100066128433 (READ-ONLY COPY).

The authoritative reference and input builder live on the scoring server;
editing this copy changes nothing except your own understanding.
"""

import jax, jax.numpy as jnp
import numpy as np

LRM_IGNORE = 0.2

def _bce_with_logits(pred, true):
    # numerically-stable elementwise BCEWithLogits (reduction='none')
    return jnp.maximum(pred, 0.0) - pred * true + jnp.log1p(jnp.exp(-jnp.abs(pred)))

def setup_inputs(seed: int = 0):
    key = jax.random.key(seed)
    k1, k2 = jax.random.split(key)
    pred = jax.random.normal(k1, (4, 4096, 2048), dtype=jnp.float32)
    true = (jax.random.uniform(k2, (4, 4096, 2048), dtype=jnp.float32) > 0.5).astype(jnp.float32)
    return {"pred": pred, "true": true}

def reference(pred, true):
    loss = _bce_with_logits(pred, true)
    loss = loss.reshape(loss.shape[0], -1)
    k = int(loss.shape[1] * (1.0 - LRM_IGNORE))
    topv, _ = jax.lax.top_k(loss, k)
    # original wrapped loss_fcn had reduction='mean'
    return topv.mean()

if __name__ == "__main__":
    import jax
    _d = setup_inputs()
    print(jax.jit(kernel)(*tuple(_d.values())))

</pallas_src>

<mosaic_0001>
#map = affine_map<(d0, d1) -> (0)>
#map1 = affine_map<(d0, d1) -> (0, 0, 0)>
module attributes {stable_mosaic.version = 14 : i64} {
  func.func @_sc_hist(%arg0: i32, %arg1: i32, %arg2: memref<16777216xi32, #tpu.memory_space<hbm>>, %arg3: memref<32x16x2048xf32, #tpu.memory_space<hbm>>, %arg4: memref<32x16x2048xf32, #tpu.memory_space<hbm>>, %arg5: memref<16384xi32, #tpu.memory_space<vmem>>, %arg6: memref<16384xi32, #tpu.memory_space<vmem>>, %arg7: memref<16x2048xf32, #tpu.memory_space<vmem>>, %arg8: memref<16x2048xf32, #tpu.memory_space<vmem>>, %arg9: memref<!tpu.dma_semaphore, #tpu.memory_space<semaphore_mem>>, %arg10: memref<!tpu.dma_semaphore, #tpu.memory_space<semaphore_mem>>) attributes {dimension_semantics = [#tpu.dimension_semantics<core_parallel>, #tpu.dimension_semantics<subcore_parallel>], iteration_bounds = array<i64: 2, 16>, scalar_prefetch = 0 : i64, scratch_operands = 6 : i64, tpu.core_type = #tpu.core_type<sc_vector_subcore>, window_params = [{transform_indices = #map}, {transform_indices = #map1}, {transform_indices = #map1}]} {
    %mul3A = arith.constant 16 : i32
    %mul3A_0 = arith.muli %arg0, %mul3A : i32
    %add3A = arith.addi %mul3A_0, %arg1 : i32
    %mul3A_1 = arith.constant 524288 : i32
    %mul3A_2 = arith.muli %add3A, %mul3A_1 : i32
    %broadcast_in_dim3A = arith.constant 0.000000e+00 : f32
    %broadcast_in_dim3A_3 = vector.broadcast %broadcast_in_dim3A : f32 to vector<16xf32>
    %scan3A = arith.constant 0 : i32
    %scan3A_4 = arith.constant 0 : i32
    %scan3A_5 = arith.constant 128 : i32
    %scan3A_6 = arith.addi %scan3A_4, %scan3A_5 : i32
    %scan3A_7 = arith.constant 1 : i32
    scf.for %scan3A_20 = %scan3A_4 to %scan3A_6 step %scan3A_7  : i32 {
      %mul3A_21 = arith.constant 16 : i32
      %mul3A_22 = arith.muli %scan3A_20, %mul3A_21 : i32
      %swap3A = arith.constant 0 : i32
      %swap3A_23 = arith.index_cast %swap3A : i32 to index
      %swap3A_24 = arith.index_cast %mul3A_22 : i32 to index
      %swap3A_25 = tpu.vector_load %arg7[%swap3A_23, %swap3A_24] {strides = array<i32>} : memref<16x2048xf32, #tpu.memory_space<vmem>>, vector<16xf32>,
      tpu.vector_store %arg7[%swap3A_23, %swap3A_24], %broadcast_in_dim3A_3 {strides = array<i32>} : memref<16x2048xf32, #tpu.memory_space<vmem>>, vector<16xf32>,
      %mul3A_26 = arith.constant 16 : i32
      %mul3A_27 = arith.muli %scan3A_20, %mul3A_26 : i32
      %swap3A_28 = arith.constant 0 : i32
      %swap3A_29 = arith.index_cast %swap3A_28 : i32 to index
      %swap3A_30 = arith.index_cast %mul3A_27 : i32 to index
      %swap3A_31 = tpu.vector_load %arg8[%swap3A_29, %swap3A_30] {strides = array<i32>} : memref<16x2048xf32, #tpu.memory_space<vmem>>, vector<16xf32>,
      tpu.vector_store %arg8[%swap3A_29, %swap3A_30], %broadcast_in_dim3A_3 {strides = array<i32>} : memref<16x2048xf32, #tpu.memory_space<vmem>>, vector<16xf32>,
      %mul3A_32 = arith.constant 16 : i32
      %mul3A_33 = arith.muli %scan3A_20, %mul3A_32 : i32
      %swap3A_34 = arith.constant 1 : i32
      %swap3A_35 = arith.index_cast %swap3A_34 : i32 to index
      %swap3A_36 = arith.index_cast %mul3A_33 : i32 to index
      %swap3A_37 = tpu.vector_load %arg7[%swap3A_35, %swap3A_36] {strides = array<i32>} : memref<16x2048xf32, #tpu.memory_space<vmem>>, vector<16xf32>,
      tpu.vector_store %arg7[%swap3A_35, %swap3A_36], %broadcast_in_dim3A_3 {strides = array<i32>} : memref<16x2048xf32, #tpu.memory_space<vmem>>, vector<16xf32>,
      %mul3A_38 = arith.constant 16 : i32
      %mul3A_39 = arith.muli %scan3A_20, %mul3A_38 : i32
      %swap3A_40 = arith.constant 1 : i32
      %swap3A_41 = arith.index_cast %swap3A_40 : i32 to index
      %swap3A_42 = arith.index_cast %mul3A_39 : i32 to index
      %swap3A_43 = tpu.vector_load %arg8[%swap3A_41, %swap3A_42] {strides = array<i32>} : memref<16x2048xf32, #tpu.memory_space<vmem>>, vector<16xf32>,
      tpu.vector_store %arg8[%swap3A_41, %swap3A_42], %broadcast_in_dim3A_3 {strides = array<i32>} : memref<16x2048xf32, #tpu.memory_space<vmem>>, vector<16xf32>,
      %mul3A_44 = arith.constant 16 : i32
      %mul3A_45 = arith.muli %scan3A_20, %mul3A_44 : i32
      %swap3A_46 = arith.constant 2 : i32
      %swap3A_47 = arith.index_cast %swap3A_46 : i32 to index
      %swap3A_48 = arith.index_cast %mul3A_45 : i32 to index
      %swap3A_49 = tpu.vector_load %arg7[%swap3A_47, %swap3A_48] {strides = array<i32>} : memref<16x2048xf32, #tpu.memory_space<vmem>>, vector<16xf32>,
      tpu.vector_store %arg7[%swap3A_47, %swap3A_48], %broadcast_in_dim3A_3 {strides = array<i32>} : memref<16x2048xf32, #tpu.memory_space<vmem>>, vector<16xf32>,
      %mul3A_50 = arith.constant 16 : i32
      %mul3A_51 = arith.muli %scan3A_20, %mul3A_50 : i32
      %swap3A_52 = arith.constant 2 : i32
      %swap3A_53 = arith.index_cast %swap3A_52 : i32 to index
      %swap3A_54 = arith.index_cast %mul3A_51 : i32 to index
      %swap3A_55 = tpu.vector_load %arg8[%swap3A_53, %swap3A_54] {strides = array<i32>} : memref<16x2048xf32, #tpu.memory_space<vmem>>, vector<16xf32>,
      tpu.vector_store %arg8[%swap3A_53, %swap3A_54], %broadcast_in_dim3A_3 {strides = array<i32>} : memref<16x2048xf32, #tpu.memory_space<vmem>>, vector<16xf32>,
      %mul3A_56 = arith.constant 16 : i32
      %mul3A_57 = arith.muli %scan3A_20, %mul3A_56 : i32
      %swap3A_58 = arith.constant 3 : i32
      %swap3A_59 = arith.index_cast %swap3A_58 : i32 to index
      %swap3A_60 = arith.index_cast %mul3A_57 : i32 to index
      %swap3A_61 = tpu.vector_load %arg7[%swap3A_59, %swap3A_60] {strides = array<i32>} : memref<16x2048xf32, #tpu.memory_space<vmem>>, vector<16xf32>,
      tpu.vector_store %arg7[%swap3A_59, %swap3A_60], %broadcast_in_dim3A_3 {strides = array<i32>} : memref<16x2048xf32, #tpu.memory_space<vmem>>, vector<16xf32>,
      %mul3A_62 = arith.constant 16 : i32
      %mul3A_63 = arith.muli %scan3A_20, %mul3A_62 : i32
      %swap3A_64 = arith.constant 3 : i32
      %swap3A_65 = arith.index_cast %swap3A_64 : i32 to index
      %swap3A_66 = arith.index_cast %mul3A_63 : i32 to index
      %swap3A_67 = tpu.vector_load %arg8[%swap3A_65, %swap3A_66] {strides = array<i32>} : memref<16x2048xf32, #tpu.memory_space<vmem>>, vector<16xf32>,
      tpu.vector_store %arg8[%swap3A_65, %swap3A_66], %broadcast_in_dim3A_3 {strides = array<i32>} : memref<16x2048xf32, #tpu.memory_space<vmem>>, vector<16xf32>,
      %mul3A_68 = arith.constant 16 : i32
      %mul3A_69 = arith.muli %scan3A_20, %mul3A_68 : i32
      %swap3A_70 = arith.constant 4 : i32
      %swap3A_71 = arith.index_cast %swap3A_70 : i32 to index
      %swap3A_72 = arith.index_cast %mul3A_69 : i32 to index
      %swap3A_73 = tpu.vector_load %arg7[%swap3A_71, %swap3A_72] {strides = array<i32>} : memref<16x2048xf32, #tpu.memory_space<vmem>>, vector<16xf32>,
      tpu.vector_store %arg7[%swap3A_71, %swap3A_72], %broadcast_in_dim3A_3 {strides = array<i32>} : memref<16x2048xf32, #tpu.memory_space<vmem>>, vector<16xf32>,
      %mul3A_74 = arith.constant 16 : i32
      %mul3A_75 = arith.muli %scan3A_20, %mul3A_74 : i32
      %swap3A_76 = arith.constant 4 : i32
      %swap3A_77 = arith.index_cast %swap3A_76 : i32 to index
      %swap3A_78 = arith.index_cast %mul3A_75 : i32 to index
      %swap3A_79 = tpu.vector_load %arg8[%swap3A_77, %swap3A_78] {strides = array<i32>} : memref<16x2048xf32, #tpu.memory_space<vmem>>, vector<16xf32>,
      tpu.vector_store %arg8[%swap3A_77, %swap3A_78], %broadcast_in_dim3A_3 {strides = array<i32>} : memref<16x2048xf32, #tpu.memory_space<vmem>>, vector<16xf32>,
      %mul3A_80 = arith.constant 16 : i32
      %mul3A_81 = arith.muli %scan3A_20, %mul3A_80 : i32
      %swap3A_82 = arith.constant 5 : i32
      %swap3A_83 = arith.index_cast %swap3A_82 : i32 to index
      %swap3A_84 = arith.index_cast %mul3A_81 : i32 to index
      %swap3A_85 = tpu.vector_load %arg7[%swap3A_83, %swap3A_84] {strides = array<i32>} : memref<16x2048xf32, #tpu.memory_space<vmem>>, vector<16xf32>,
      tpu.vector_store %arg7[%swap3A_83, %swap3A_84], %broadcast_in_dim3A_3 {strides = array<i32>} : memref<16x2048xf32, #tpu.memory_space<vmem>>, vector<16xf32>,
      %mul3A_86 = arith.constant 16 : i32
      %mul3A_87 = arith.muli %scan3A_20, %mul3A_86 : i32
      %swap3A_88 = arith.constant 5 : i32
      %swap3A_89 = arith.index_cast %swap3A_88 : i32 to index
      %swap3A_90 = arith.index_cast %mul3A_87 : i32 to index
      %swap3A_91 = tpu.vector_load %arg8[%swap3A_89, %swap3A_90] {strides = array<i32>} : memref<16x2048xf32, #tpu.memory_space<vmem>>, vector<16xf32>,
      tpu.vector_store %arg8[%swap3A_89, %swap3A_90], %broadcast_in_dim3A_3 {strides = array<i32>} : memref<16x2048xf32, #tpu.memory_space<vmem>>, vector<16xf32>,
      %mul3A_92 = arith.constant 16 : i32
      %mul3A_93 = arith.muli %scan3A_20, %mul3A_92 : i32
      %swap3A_94 = arith.constant 6 : i32
      %swap3A_95 = arith.index_cast %swap3A_94 : i32 to index
      %swap3A_96 = arith.index_cast %mul3A_93 : i32 to index
      %swap3A_97 = tpu.vector_load %arg7[%swap3A_95, %swap3A_96] {strides = array<i32>} : memref<16x2048xf32, #tpu.memory_space<vmem>>, vector<16xf32>,
      tpu.vector_store %arg7[%swap3A_95, %swap3A_96], %broadcast_in_dim3A_3 {strides = array<i32>} : memref<16x2048xf32, #tpu.memory_space<vmem>>, vector<16xf32>,
      %mul3A_98 = arith.constant 16 : i32
      %mul3A_99 = arith.muli %scan3A_20, %mul3A_98 : i32
      %swap3A_100 = arith.constant 6 : i32
      %swap3A_101 = arith.index_cast %swap3A_100 : i32 to index
      %swap3A_102 = arith.index_cast %mul3A_99 : i32 to index
      %swap3A_103 = tpu.vector_load %arg8[%swap3A_101, %swap3A_102] {strides = array<i32>} : memref<16x2048xf32, #tpu.memory_space<vmem>>, vector<16xf32>,
      tpu.vector_store %arg8[%swap3A_101, %swap3A_102], %broadcast_in_dim3A_3 {strides = array<i32>} : memref<16x2048xf32, #tpu.memory_space<vmem>>, vector<16xf32>,
      %mul3A_104 = arith.constant 16 : i32
      %mul3A_105 = arith.muli %scan3A_20, %mul3A_104 : i32
      %swap3A_106 = arith.constant 7 : i32
      %swap3A_107 = arith.index_cast %swap3A_106 : i32 to index
      %swap3A_108 = arith.index_cast %mul3A_105 : i32 to index
      %swap3A_109 = tpu.vector_load %arg7[%swap3A_107, %swap3A_108] {strides = array<i32>} : memref<16x2048xf32, #tpu.memory_space<vmem>>, vector<16xf32>,
      tpu.vector_store %arg7[%swap3A_107, %swap3A_108], %broadcast_in_dim3A_3 {strides = array<i32>} : memref<16x2048xf32, #tpu.memory_space<vmem>>, vector<16xf32>,
      %mul3A_110 = arith.constant 16 : i32
      %mul3A_111 = arith.muli %scan3A_20, %mul3A_110 : i32
      %swap3A_112 = arith.constant 7 : i32
      %swap3A_113 = arith.index_cast %swap3A_112 : i32 to index
      %swap3A_114 = arith.index_cast %mul3A_111 : i32 to index
      %swap3A_115 = tpu.vector_load %arg8[%swap3A_113, %swap3A_114] {strides = array<i32>} : memref<16x2048xf32, #tpu.memory_space<vmem>>, vector<16xf32>,
      tpu.vector_store %arg8[%swap3A_113, %swap3A_114], %broadcast_in_dim3A_3 {strides = array<i32>} : memref<16x2048xf32, #tpu.memory_space<vmem>>, vector<16xf32>,
      %mul3A_116 = arith.constant 16 : i32
      %mul3A_117 = arith.muli %scan3A_20, %mul3A_116 : i32
      %swap3A_118 = arith.constant 8 : i32
      %swap3A_119 = arith.index_cast %swap3A_118 : i32 to index
      %swap3A_120 = arith.index_cast %mul3A_117 : i32 to index
      %swap3A_121 = tpu.vector_load %arg7[%swap3A_119, %swap3A_120] {strides = array<i32>} : memref<16x2048xf32, #tpu.memory_space<vmem>>, vector<16xf32>,
      tpu.vector_store %arg7[%swap3A_119, %swap3A_120], %broadcast_in_dim3A_3 {strides = array<i32>} : memref<16x2048xf32, #tpu.memory_space<vmem>>, vector<16xf32>,
      %mul3A_122 = arith.constant 16 : i32
      %mul3A_123 = arith.muli %scan3A_20, %mul3A_122 : i32
      %swap3A_124 = arith.constant 8 : i32
      %swap3A_125 = arith.index_cast %swap3A_124 : i32 to index
      %swap3A_126 = arith.index_cast %mul3A_123 : i32 to index
      %swap3A_127 = tpu.vector_load %arg8[%swap3A_125, %swap3A_126] {strides = array<i32>} : memref<16x2048xf32, #tpu.memory_space<vmem>>, vector<16xf32>,
      tpu.vector_store %arg8[%swap3A_125, %swap3A_126], %broadcast_in_dim3A_3 {strides = array<i32>} : memref<16x2048xf32, #tpu.memory_space<vmem>>, vector<16xf32>,
      %mul3A_128 = arith.constant 16 : i32
      %mul3A_129 = arith.muli %scan3A_20, %mul3A_128 : i32
      %swap3A_130 = arith.constant 9 : i32
      %swap3A_131 = arith.index_cast %swap3A_130 : i32 to index
      %swap3A_132 = arith.index_cast %mul3A_129 : i32 to index
      %swap3A_133 = tpu.vector_load %arg7[%swap3A_131, %swap3A_132] {strides = array<i32>} : memref<16x2048xf32, #tpu.memory_space<vmem>>, vector<16xf32>,
      tpu.vector_store %arg7[%swap3A_131, %swap3A_132], %broadcast_in_dim3A_3 {strides = array<i32>} : memref<16x2048xf32, #tpu.memory_space<vmem>>, vector<16xf32>,
      %mul3A_134 = arith.constant 16 : i32
      %mul3A_135 = arith.muli %scan3A_20, %mul3A_134 : i32
      %swap3A_136 = arith.constant 9 : i32
      %swap3A_137 = arith.index_cast %swap3A_136 : i32 to index
      %swap3A_138 = arith.index_cast %mul3A_135 : i32 to index
      %swap3A_139 = tpu.vector_load %arg8[%swap3A_137, %swap3A_138] {strides = array<i32>} : memref<16x2048xf32, #tpu.memory_space<vmem>>, vector<16xf32>,
      tpu.vector_store %arg8[%swap3A_137, %swap3A_138], %broadcast_in_dim3A_3 {strides = array<i32>} : memref<16x2048xf32, #tpu.memory_space<vmem>>, vector<16xf32>,
      %mul3A_140 = arith.constant 16 : i32
      %mul3A_141 = arith.muli %scan3A_20, %mul3A_140 : i32
      %swap3A_142 = arith.constant 10 : i32
      %swap3A_143 = arith.index_cast %swap3A_142 : i32 to index
      %swap3A_144 = arith.index_cast %mul3A_141 : i32 to index
      %swap3A_145 = tpu.vector_load %arg7[%swap3A_143, %swap3A_144] {strides = array<i32>} : memref<16x2048xf32, #tpu.memory_space<vmem>>, vector<16xf32>,
      tpu.vector_store %arg7[%swap3A_143, %swap3A_144], %broadcast_in_dim3A_3 {strides = array<i32>} : memref<16x2048xf32, #tpu.memory_space<vmem>>, vector<16xf32>,
      %mul3A_146 = arith.constant 16 : i32
      %mul3A_147 = arith.muli %scan3A_20, %mul3A_146 : i32
      %swap3A_148 = arith.constant 10 : i32
      %swap3A_149 = arith.index_cast %swap3A_148 : i32 to index
      %swap3A_150 = arith.index_cast %mul3A_147 : i32 to index
      %swap3A_151 = tpu.vector_load %arg8[%swap3A_149, %swap3A_150] {strides = array<i32>} : memref<16x2048xf32, #tpu.memory_space<vmem>>, vector<16xf32>,
      tpu.vector_store %arg8[%swap3A_149, %swap3A_150], %broadcast_in_dim3A_3 {strides = array<i32>} : memref<16x2048xf32, #tpu.memory_space<vmem>>, vector<16xf32>,
      %mul3A_152 = arith.constant 16 : i32
      %mul3A_153 = arith.muli %scan3A_20, %mul3A_152 : i32
      %swap3A_154 = arith.constant 11 : i32
      %swap3A_155 = arith.index_cast %swap3A_154 : i32 to index
      %swap3A_156 = arith.index_cast %mul3A_153 : i32 to index
      %swap3A_157 = tpu.vector_load %arg7[%swap3A_155, %swap3A_156] {strides = array<i32>} : memref<16x2048xf32, #tpu.memory_space<vmem>>, vector<16xf32>,
      tpu.vector_store %arg7[%swap3A_155, %swap3A_156], %broadcast_in_dim3A_3 {strides = array<i32>} : memref<16x2048xf32, #tpu.memory_space<vmem>>, vector<16xf32>,
      %mul3A_158 = arith.constant 16 : i32
      %mul3A_159 = arith.muli %scan3A_20, %mul3A_158 : i32
      %swap3A_160 = arith.constant 11 : i32
      %swap3A_161 = arith.index_cast %swap3A_160 : i32 to index
      %swap3A_162 = arith.index_cast %mul3A_159 : i32 to index
      %swap3A_163 = tpu.vector_load %arg8[%swap3A_161, %swap3A_162] {strides = array<i32>} : memref<16x2048xf32, #tpu.memory_space<vmem>>, vector<16xf32>,
      tpu.vector_store %arg8[%swap3A_161, %swap3A_162], %broadcast_in_dim3A_3 {strides = array<i32>} : memref<16x2048xf32, #tpu.memory_space<vmem>>, vector<16xf32>,
      %mul3A_164 = arith.constant 16 : i32
      %mul3A_165 = arith.muli %scan3A_20, %mul3A_164 : i32
      %swap3A_166 = arith.constant 12 : i32
      %swap3A_167 = arith.index_cast %swap3A_166 : i32 to index
      %swap3A_168 = arith.index_cast %mul3A_165 : i32 to index
      %swap3A_169 = tpu.vector_load %arg7[%swap3A_167, %swap3A_168] {strides = array<i32>} : memref<16x2048xf32, #tpu.memory_space<vmem>>, vector<16xf32>,
      tpu.vector_store %arg7[%swap3A_167, %swap3A_168], %broadcast_in_dim3A_3 {strides = array<i32>} : memref<16x2048xf32, #tpu.memory_space<vmem>>, vector<16xf32>,
      %mul3A_170 = arith.constant 16 : i32
      %mul3A_171 = arith.muli %scan3A_20, %mul3A_170 : i32
      %swap3A_172 = arith.constant 12 : i32
      %swap3A_173 = arith.index_cast %swap3A_172 : i32 to index
      %swap3A_174 = arith.index_cast %mul3A_171 : i32 to index
      %swap3A_175 = tpu.vector_load %arg8[%swap3A_173, %swap3A_174] {strides = array<i32>} : memref<16x2048xf32, #tpu.memory_space<vmem>>, vector<16xf32>,
      tpu.vector_store %arg8[%swap3A_173, %swap3A_174], %broadcast_in_dim3A_3 {strides = array<i32>} : memref<16x2048xf32, #tpu.memory_space<vmem>>, vector<16xf32>,
      %mul3A_176 = arith.constant 16 : i32
      %mul3A_177 = arith.muli %scan3A_20, %mul3A_176 : i32
      %swap3A_178 = arith.constant 13 : i32
      %swap3A_179 = arith.index_cast %swap3A_178 : i32 to index
      %swap3A_180 = arith.index_cast %mul3A_177 : i32 to index
      %swap3A_181 = tpu.vector_load %arg7[%swap3A_179, %swap3A_180] {strides = array<i32>} : memref<16x2048xf32, #tpu.memory_space<vmem>>, vector<16xf32>,
      tpu.vector_store %arg7[%swap3A_179, %swap3A_180], %broadcast_in_dim3A_3 {strides = array<i32>} : memref<16x2048xf32, #tpu.memory_space<vmem>>, vector<16xf32>,
      %mul3A_182 = arith.constant 16 : i32
      %mul3A_183 = arith.muli %scan3A_20, %mul3A_182 : i32
      %swap3A_184 = arith.constant 13 : i32
      %swap3A_185 = arith.index_cast %swap3A_184 : i32 to index
      %swap3A_186 = arith.index_cast %mul3A_183 : i32 to index
      %swap3A_187 = tpu.vector_load %arg8[%swap3A_185, %swap3A_186] {strides = array<i32>} : memref<16x2048xf32, #tpu.memory_space<vmem>>, vector<16xf32>,
      tpu.vector_store %arg8[%swap3A_185, %swap3A_186], %broadcast_in_dim3A_3 {strides = array<i32>} : memref<16x2048xf32, #tpu.memory_space<vmem>>, vector<16xf32>,
      %mul3A_188 = arith.constant 16 : i32
      %mul3A_189 = arith.muli %scan3A_20, %mul3A_188 : i32
      %swap3A_190 = arith.constant 14 : i32
      %swap3A_191 = arith.index_cast %swap3A_190 : i32 to index
      %swap3A_192 = arith.index_cast %mul3A_189 : i32 to index
      %swap3A_193 = tpu.vector_load %arg7[%swap3A_191, %swap3A_192] {strides = array<i32>} : memref<16x2048xf32, #tpu.memory_space<vmem>>, vector<16xf32>,
      tpu.vector_store %arg7[%swap3A_191, %swap3A_192], %broadcast_in_dim3A_3 {strides = array<i32>} : memref<16x2048xf32, #tpu.memory_space<vmem>>, vector<16xf32>,
      %mul3A_194 = arith.constant 16 : i32
      %mul3A_195 = arith.muli %scan3A_20, %mul3A_194 : i32
      %swap3A_196 = arith.constant 14 : i32
      %swap3A_197 = arith.index_cast %swap3A_196 : i32 to index
      %swap3A_198 = arith.index_cast %mul3A_195 : i32 to index
      %swap3A_199 = tpu.vector_load %arg8[%swap3A_197, %swap3A_198] {strides = array<i32>} : memref<16x2048xf32, #tpu.memory_space<vmem>>, vector<16xf32>,
      tpu.vector_store %arg8[%swap3A_197, %swap3A_198], %broadcast_in_dim3A_3 {strides = array<i32>} : memref<16x2048xf32, #tpu.memory_space<vmem>>, vector<16xf32>,
      %mul3A_200 = arith.constant 16 : i32
      %mul3A_201 = arith.muli %scan3A_20, %mul3A_200 : i32
      %swap3A_202 = arith.constant 15 : i32
      %swap3A_203 = arith.index_cast %swap3A_202 : i32 to index
      %swap3A_204 = arith.index_cast %mul3A_201 : i32 to index
      %swap3A_205 = tpu.vector_load %arg7[%swap3A_203, %swap3A_204] {strides = array<i32>} : memref<16x2048xf32, #tpu.memory_space<vmem>>, vector<16xf32>,
      tpu.vector_store %arg7[%swap3A_203, %swap3A_204], %broadcast_in_dim3A_3 {strides = array<i32>} : memref<16x2048xf32, #tpu.memory_space<vmem>>, vector<16xf32>,
      %mul3A_206 = arith.constant 16 : i32
      %mul3A_207 = arith.muli %scan3A_20, %mul3A_206 : i32
      %swap3A_208 = arith.constant 15 : i32
      %swap3A_209 = arith.index_cast %swap3A_208 : i32 to index
      %swap3A_210 = arith.index_cast %mul3A_207 : i32 to index
      %swap3A_211 = tpu.vector_load %arg8[%swap3A_209, %swap3A_210] {strides = array<i32>} : memref<16x2048xf32, #tpu.memory_space<vmem>>, vector<16xf32>,
      tpu.vector_store %arg8[%swap3A_209, %swap3A_210], %broadcast_in_dim3A_3 {strides = array<i32>} : memref<16x2048xf32, #tpu.memory_space<vmem>>, vector<16xf32>,
    }
    %scan3A_8 = arith.constant 128 : i32
    %iota3A = tpu.iota {dimensions = array<i32: 0>} : vector<16xi32>
    %broadcast_in_dim3A_9 = arith.constant 1.000000e+00 : f32
    %broadcast_in_dim3A_10 = vector.broadcast %broadcast_in_dim3A_9 : f32 to vector<16xf32>
    %add3A_11 = arith.constant 0 : i32
    %add3A_12 = arith.addi %mul3A_2, %add3A_11 : i32
    %dma_start3A = tpu.memref_slice %arg2[%add3A_12] : memref<16777216xi32, #tpu.memory_space<hbm>> -> memref<16384xi32, #tpu.memory_space<hbm>>
    %dma_start3A_13 = tpu.memref_slice %arg2[%add3A_12] : memref<16777216xi32, #tpu.memory_space<hbm>> -> memref<16384xi32, #tpu.memory_space<hbm>>
    tpu.enqueue_dma source(%dma_start3A_13 : memref<16384xi32, #tpu.memory_space<hbm>>) target(%arg5 : memref<16384xi32, #tpu.memory_space<vmem>>) target_semaphore(%arg9 : memref<!tpu.dma_semaphore, #tpu.memory_space<semaphore_mem>>)
    %scan3A_14 = arith.constant 0 : i32
    %scan3A_15 = arith.constant 0 : i32
    %scan3A_16 = arith.constant 16 : i32
    %scan3A_17 = arith.addi %scan3A_15, %scan3A_16 : i32
    %scan3A_18 = arith.constant 1 : i32
    scf.for %scan3A_20 = %scan3A_15 to %scan3A_17 step %scan3A_18  : i32 {
      %mul3A_21 = arith.constant 2 : i32
      %mul3A_22 = arith.muli %scan3A_20, %mul3A_21 : i32
      %mul3A_23 = arith.constant 16384 : i32
      %mul3A_24 = arith.muli %mul3A_22, %mul3A_23 : i32
      %add3A_25 = arith.addi %mul3A_2, %mul3A_24 : i32
      %dma_wait3A = tpu.memref_slice %arg2[%add3A_25] : memref<16777216xi32, #tpu.memory_space<hbm>> -> memref<16384xi32, #tpu.memory_space<hbm>>
      %dma_wait3A_26 = tpu.memref_slice %arg2[%add3A_25] : memref<16777216xi32, #tpu.memory_space<hbm>> -> memref<16384xi32, #tpu.memory_space<hbm>>
      tpu.wait_dma2 semaphore(%arg9 : memref<!tpu.dma_semaphore, #tpu.memory_space<semaphore_mem>>) src(%dma_wait3A_26 : memref<16384xi32, #tpu.memory_space<hbm>>) dst(%arg5 : memref<16384xi32, #tpu.memory_space<vmem>>)
      %add3A_27 = arith.constant 1 : i32
      %add3A_28 = arith.addi %mul3A_22, %add3A_27 : i32
      %mul3A_29 = arith.constant 16384 : i32
      %mul3A_30 = arith.muli %add3A_28, %mul3A_29 : i32
      %add3A_31 = arith.addi %mul3A_2, %mul3A_30 : i32
      %dma_start3A_32 = tpu.memref_slice %arg2[%add3A_31] : memref<16777216xi32, #tpu.memory_space<hbm>> -> memref<16384xi32, #tpu.memory_space<hbm>>
      %dma_start3A_33 = tpu.memref_slice %arg2[%add3A_31] : memref<16777216xi32, #tpu.memory_space<hbm>> -> memref<16384xi32, #tpu.memory_space<hbm>>
      tpu.enqueue_dma source(%dma_start3A_33 : memref<16384xi32, #tpu.memory_space<hbm>>) target(%arg6 : memref<16384xi32, #tpu.memory_space<vmem>>) target_semaphore(%arg10 : memref<!tpu.dma_semaphore, #tpu.memory_space<semaphore_mem>>)
      %parallel_loop3A = arith.constant 0 : i32
      %parallel_loop3A_34 = arith.constant 1024 : i32
      %parallel_loop3A_35 = arith.constant 1 : i32
      scf.for %parallel_loop3A_50 = %parallel_loop3A to %parallel_loop3A_34 step %parallel_loop3A_35  : i32 {
        %parallel_loop3A_51 = arith.constant 16 : i32
        %parallel_loop3A_52 = arith.muli %parallel_loop3A_50, %parallel_loop3A_51 : i32
        %parallel_loop3A_53 = arith.index_cast %parallel_loop3A_52 : i32 to index
        %parallel_loop3A_54 = tpu.vector_load %arg5[%parallel_loop3A_53] {strides = array<i32>} : memref<16384xi32, #tpu.memory_space<vmem>>, vector<16xi32>,
        %parallel_loop3A_55 = arith.constant -65536 : i32
        %parallel_loop3A_56 = vector.broadcast %parallel_loop3A_55 : i32 to vector<16xi32>
        %parallel_loop3A_57 = arith.andi %parallel_loop3A_54, %parallel_loop3A_56 : vector<16xi32>
        %parallel_loop3A_58 = tpu.bitcast %parallel_loop3A_57 : vector<16xi32> -> vector<16xf32>
        %parallel_loop3A_59 = arith.constant 16 : i32
        %parallel_loop3A_60 = vector.broadcast %parallel_loop3A_59 : i32 to vector<16xi32>
        %parallel_loop3A_61 = arith.shli %parallel_loop3A_54, %parallel_loop3A_60 : vector<16xi32>
        %parallel_loop3A_62 = tpu.bitcast %parallel_loop3A_61 : vector<16xi32> -> vector<16xf32>
        %parallel_loop3A_63 = arith.constant 20 : i32
        %parallel_loop3A_64 = vector.broadcast %parallel_loop3A_63 : i32 to vector<16xi32>
        %parallel_loop3A_65 = arith.shrui %parallel_loop3A_54, %parallel_loop3A_64 : vector<16xi32>
        %parallel_loop3A_66 = arith.constant 4 : i32
        %parallel_loop3A_67 = vector.broadcast %parallel_loop3A_66 : i32 to vector<16xi32>
        %parallel_loop3A_68 = arith.shrui %parallel_loop3A_54, %parallel_loop3A_67 : vector<16xi32>
        %parallel_loop3A_69 = arith.constant 2047 : i32
        %parallel_loop3A_70 = vector.broadcast %parallel_loop3A_69 : i32 to vector<16xi32>
        %parallel_loop3A_71 = arith.andi %parallel_loop3A_68, %parallel_loop3A_70 : vector<16xi32>
        tpu.vector_store_idx %arg7[%iota3A, %parallel_loop3A_65], %broadcast_in_dim3A_10 {add = true} : memref<16x2048xf32, #tpu.memory_space<vmem>>[vector<16xi32>, vector<16xi32>], vector<16xf32>,
        tpu.vector_store_idx %arg8[%iota3A, %parallel_loop3A_65], %parallel_loop3A_58 {add = true} : memref<16x2048xf32, #tpu.memory_space<vmem>>[vector<16xi32>, vector<16xi32>], vector<16xf32>,
        tpu.vector_store_idx %arg7[%iota3A, %parallel_loop3A_71], %broadcast_in_dim3A_10 {add = true} : memref<16x2048xf32, #tpu.memory_space<vmem>>[vector<16xi32>, vector<16xi32>], vector<16xf32>,
        tpu.vector_store_idx %arg8[%iota3A, %parallel_loop3A_71], %parallel_loop3A_62 {add = true} : memref<16x2048xf32, #tpu.memory_space<vmem>>[vector<16xi32>, vector<16xi32>], vector<16xf32>,
      } {sc.loop_unroll_factor = 16 : i64, sc.parallel_access}
      %add3A_36 = arith.constant 1 : i32
      %add3A_37 = arith.addi %mul3A_22, %add3A_36 : i32
      %mul3A_38 = arith.constant 16384 : i32
      %mul3A_39 = arith.muli %add3A_37, %mul3A_38 : i32
      %add3A_40 = arith.addi %mul3A_2, %mul3A_39 : i32
      %dma_wait3A_41 = tpu.memref_slice %arg2[%add3A_40] : memref<16777216xi32, #tpu.memory_space<hbm>> -> memref<16384xi32, #tpu.memory_space<hbm>>
      %dma_wait3A_42 = tpu.memref_slice %arg2[%add3A_40] : memref<16777216xi32, #tpu.memory_space<hbm>> -> memref<16384xi32, #tpu.memory_space<hbm>>
      tpu.wait_dma2 semaphore(%arg10 : memref<!tpu.dma_semaphore, #tpu.memory_space<semaphore_mem>>) src(%dma_wait3A_42 : memref<16384xi32, #tpu.memory_space<hbm>>) dst(%arg6 : memref<16384xi32, #tpu.memory_space<vmem>>)
      %add3A_43 = arith.constant 2 : i32
      %add3A_44 = arith.addi %mul3A_22, %add3A_43 : i32
      %lt3A = arith.constant 32 : i32
      %lt3A_45 = arith.cmpi slt, %add3A_44, %lt3A : i32
      %convert_element_type3A = arith.extui %lt3A_45 : i1 to i32
      %cond3A = arith.constant 0 : i32
      %cond3A_46 = arith.cmpi ne, %convert_element_type3A, %cond3A : i32
      scf.if %cond3A_46 {
        %add3A_50 = arith.constant 2 : i32
        %add3A_51 = arith.addi %mul3A_22, %add3A_50 : i32
        %mul3A_52 = arith.constant 16384 : i32
        %mul3A_53 = arith.muli %add3A_51, %mul3A_52 : i32
        %add3A_54 = arith.addi %mul3A_2, %mul3A_53 : i32
        %dma_start3A_55 = tpu.memref_slice %arg2[%add3A_54] : memref<16777216xi32, #tpu.memory_space<hbm>> -> memref<16384xi32, #tpu.memory_space<hbm>>
        %dma_start3A_56 = tpu.memref_slice %arg2[%add3A_54] : memref<16777216xi32, #tpu.memory_space<hbm>> -> memref<16384xi32, #tpu.memory_space<hbm>>
        tpu.enqueue_dma source(%dma_start3A_56 : memref<16384xi32, #tpu.memory_space<hbm>>) target(%arg5 : memref<16384xi32, #tpu.memory_space<vmem>>) target_semaphore(%arg9 : memref<!tpu.dma_semaphore, #tpu.memory_space<semaphore_mem>>)
      } else {
      }
      %parallel_loop3A_47 = arith.constant 0 : i32
      %parallel_loop3A_48 = arith.constant 1024 : i32
      %parallel_loop3A_49 = arith.constant 1 : i32
      scf.for %parallel_loop3A_50 = %parallel_loop3A_47 to %parallel_loop3A_48 step %parallel_loop3A_49  : i32 {
        %parallel_loop3A_51 = arith.constant 16 : i32
        %parallel_loop3A_52 = arith.muli %parallel_loop3A_50, %parallel_loop3A_51 : i32
        %parallel_loop3A_53 = arith.index_cast %parallel_loop3A_52 : i32 to index
        %parallel_loop3A_54 = tpu.vector_load %arg6[%parallel_loop3A_53] {strides = array<i32>} : memref<16384xi32, #tpu.memory_space<vmem>>, vector<16xi32>,
        %parallel_loop3A_55 = arith.constant -65536 : i32
        %parallel_loop3A_56 = vector.broadcast %parallel_loop3A_55 : i32 to vector<16xi32>
        %parallel_loop3A_57 = arith.andi %parallel_loop3A_54, %parallel_loop3A_56 : vector<16xi32>
        %parallel_loop3A_58 = tpu.bitcast %parallel_loop3A_57 : vector<16xi32> -> vector<16xf32>
        %parallel_loop3A_59 = arith.constant 16 : i32
        %parallel_loop3A_60 = vector.broadcast %parallel_loop3A_59 : i32 to vector<16xi32>
        %parallel_loop3A_61 = arith.shli %parallel_loop3A_54, %parallel_loop3A_60 : vector<16xi32>
        %parallel_loop3A_62 = tpu.bitcast %parallel_loop3A_61 : vector<16xi32> -> vector<16xf32>
        %parallel_loop3A_63 = arith.constant 20 : i32
        %parallel_loop3A_64 = vector.broadcast %parallel_loop3A_63 : i32 to vector<16xi32>
        %parallel_loop3A_65 = arith.shrui %parallel_loop3A_54, %parallel_loop3A_64 : vector<16xi32>
        %parallel_loop3A_66 = arith.constant 4 : i32
        %parallel_loop3A_67 = vector.broadcast %parallel_loop3A_66 : i32 to vector<16xi32>
        %parallel_loop3A_68 = arith.shrui %parallel_loop3A_54, %parallel_loop3A_67 : vector<16xi32>
        %parallel_loop3A_69 = arith.constant 2047 : i32
        %parallel_loop3A_70 = vector.broadcast %parallel_loop3A_69 : i32 to vector<16xi32>
        %parallel_loop3A_71 = arith.andi %parallel_loop3A_68, %parallel_loop3A_70 : vector<16xi32>
        tpu.vector_store_idx %arg7[%iota3A, %parallel_loop3A_65], %broadcast_in_dim3A_10 {add = true} : memref<16x2048xf32, #tpu.memory_space<vmem>>[vector<16xi32>, vector<16xi32>], vector<16xf32>,
        tpu.vector_store_idx %arg8[%iota3A, %parallel_loop3A_65], %parallel_loop3A_58 {add = true} : memref<16x2048xf32, #tpu.memory_space<vmem>>[vector<16xi32>, vector<16xi32>], vector<16xf32>,
        tpu.vector_store_idx %arg7[%iota3A, %parallel_loop3A_71], %broadcast_in_dim3A_10 {add = true} : memref<16x2048xf32, #tpu.memory_space<vmem>>[vector<16xi32>, vector<16xi32>], vector<16xf32>,
        tpu.vector_store_idx %arg8[%iota3A, %parallel_loop3A_71], %parallel_loop3A_62 {add = true} : memref<16x2048xf32, #tpu.memory_space<vmem>>[vector<16xi32>, vector<16xi32>], vector<16xf32>,
      } {sc.loop_unroll_factor = 16 : i64, sc.parallel_access}
    }
    %scan3A_19 = arith.constant 16 : i32
    "tpu.region"() ({
      %run_scoped3A = tpu.sem_alloc : memref<!tpu.dma_semaphore, #tpu.memory_space<semaphore_mem>>
      %dma_start3A_20 = arith.constant 0 : i32
      %dma_start3A_21 = arith.constant 0 : i32
      %dma_start3A_22 = tpu.memref_slice %arg3[%add3A, %dma_start3A_20, %dma_start3A_21] : memref<32x16x2048xf32, #tpu.memory_space<hbm>> -> memref<1x16x2048xf32, #tpu.memory_space<hbm>>
      %dma_start3A_23 = tpu.memref_squeeze %dma_start3A_22 : memref<1x16x2048xf32, #tpu.memory_space<hbm>> -> memref<16x2048xf32, #tpu.memory_space<hbm>>
      %dma_start3A_24 = arith.constant 0 : i32
      %dma_start3A_25 = arith.constant 0 : i32
      %dma_start3A_26 = tpu.memref_slice %arg3[%add3A, %dma_start3A_24, %dma_start3A_25] : memref<32x16x2048xf32, #tpu.memory_space<hbm>> -> memref<1x16x2048xf32, #tpu.memory_space<hbm>>
      %dma_start3A_27 = tpu.memref_squeeze %dma_start3A_26 : memref<1x16x2048xf32, #tpu.memory_space<hbm>> -> memref<16x2048xf32, #tpu.memory_space<hbm>>
      tpu.enqueue_dma source(%arg7 : memref<16x2048xf32, #tpu.memory_space<vmem>>) target(%dma_start3A_27 : memref<16x2048xf32, #tpu.memory_space<hbm>>) target_semaphore(%run_scoped3A : memref<!tpu.dma_semaphore, #tpu.memory_space<semaphore_mem>>)
      %dma_wait3A = arith.constant 0 : i32
      %dma_wait3A_28 = arith.constant 0 : i32
      %dma_wait3A_29 = tpu.memref_slice %arg3[%add3A, %dma_wait3A, %dma_wait3A_28] : memref<32x16x2048xf32, #tpu.memory_space<hbm>> -> memref<1x16x2048xf32, #tpu.memory_space<hbm>>
      %dma_wait3A_30 = tpu.memref_squeeze %dma_wait3A_29 : memref<1x16x2048xf32, #tpu.memory_space<hbm>> -> memref<16x2048xf32, #tpu.memory_space<hbm>>
      %dma_wait3A_31 = arith.constant 0 : i32
      %dma_wait3A_32 = arith.constant 0 : i32
      %dma_wait3A_33 = tpu.memref_slice %arg3[%add3A, %dma_wait3A_31, %dma_wait3A_32] : memref<32x16x2048xf32, #tpu.memory_space<hbm>> -> memref<1x16x2048xf32, #tpu.memory_space<hbm>>
      %dma_wait3A_34 = tpu.memref_squeeze %dma_wait3A_33 : memref<1x16x2048xf32, #tpu.memory_space<hbm>> -> memref<16x2048xf32, #tpu.memory_space<hbm>>
      tpu.wait_dma2 semaphore(%run_scoped3A : memref<!tpu.dma_semaphore, #tpu.memory_space<semaphore_mem>>) src(%arg7 : memref<16x2048xf32, #tpu.memory_space<vmem>>) dst(%dma_wait3A_34 : memref<16x2048xf32, #tpu.memory_space<hbm>>)
      tpu.yield
    }) : () -> ()
    "tpu.region"() ({
      %run_scoped3A = tpu.sem_alloc : memref<!tpu.dma_semaphore, #tpu.memory_space<semaphore_mem>>
      %dma_start3A_20 = arith.constant 0 : i32
      %dma_start3A_21 = arith.constant 0 : i32
      %dma_start3A_22 = tpu.memref_slice %arg4[%add3A, %dma_start3A_20, %dma_start3A_21] : memref<32x16x2048xf32, #tpu.memory_space<hbm>> -> memref<1x16x2048xf32, #tpu.memory_space<hbm>>
      %dma_start3A_23 = tpu.memref_squeeze %dma_start3A_22 : memref<1x16x2048xf32, #tpu.memory_space<hbm>> -> memref<16x2048xf32, #tpu.memory_space<hbm>>
      %dma_start3A_24 = arith.constant 0 : i32
      %dma_start3A_25 = arith.constant 0 : i32
      %dma_start3A_26 = tpu.memref_slice %arg4[%add3A, %dma_start3A_24, %dma_start3A_25] : memref<32x16x2048xf32, #tpu.memory_space<hbm>> -> memref<1x16x2048xf32, #tpu.memory_space<hbm>>
      %dma_start3A_27 = tpu.memref_squeeze %dma_start3A_26 : memref<1x16x2048xf32, #tpu.memory_space<hbm>> -> memref<16x2048xf32, #tpu.memory_space<hbm>>
      tpu.enqueue_dma source(%arg8 : memref<16x2048xf32, #tpu.memory_space<vmem>>) target(%dma_start3A_27 : memref<16x2048xf32, #tpu.memory_space<hbm>>) target_semaphore(%run_scoped3A : memref<!tpu.dma_semaphore, #tpu.memory_space<semaphore_mem>>)
      %dma_wait3A = arith.constant 0 : i32
      %dma_wait3A_28 = arith.constant 0 : i32
      %dma_wait3A_29 = tpu.memref_slice %arg4[%add3A, %dma_wait3A, %dma_wait3A_28] : memref<32x16x2048xf32, #tpu.memory_space<hbm>> -> memref<1x16x2048xf32, #tpu.memory_space<hbm>>
      %dma_wait3A_30 = tpu.memref_squeeze %dma_wait3A_29 : memref<1x16x2048xf32, #tpu.memory_space<hbm>> -> memref<16x2048xf32, #tpu.memory_space<hbm>>
      %dma_wait3A_31 = arith.constant 0 : i32
      %dma_wait3A_32 = arith.constant 0 : i32
      %dma_wait3A_33 = tpu.memref_slice %arg4[%add3A, %dma_wait3A_31, %dma_wait3A_32] : memref<32x16x2048xf32, #tpu.memory_space<hbm>> -> memref<1x16x2048xf32, #tpu.memory_space<hbm>>
      %dma_wait3A_34 = tpu.memref_squeeze %dma_wait3A_33 : memref<1x16x2048xf32, #tpu.memory_space<hbm>> -> memref<16x2048xf32, #tpu.memory_space<hbm>>
      tpu.wait_dma2 semaphore(%run_scoped3A : memref<!tpu.dma_semaphore, #tpu.memory_space<semaphore_mem>>) src(%arg8 : memref<16x2048xf32, #tpu.memory_space<vmem>>) dst(%dma_wait3A_34 : memref<16x2048xf32, #tpu.memory_space<hbm>>)
      tpu.yield
    }) : () -> ()
    return
  }
}

module attributes {stable_mosaic.version = 14 : i64} {
  func.func @_loss_body(%arg0: i32, %arg1: i32, %arg2: memref<1x512x2048xf32, #tpu.memory_space<vmem>>, %arg3: memref<1x512x2048xf32, #tpu.memory_space<vmem>>, %arg4: memref<1x512x1024xi32, #tpu.memory_space<vmem>>) attributes {dimension_semantics = [#tpu.dimension_semantics<arbitrary>, #tpu.dimension_semantics<arbitrary>], iteration_bounds = array<i64: 4, 8>, scalar_prefetch = 0 : i64, scratch_operands = 0 : i64, tpu.core_type = #tpu.core_type<tc>, window_params = [{transform_indices = @transform_0, window_bounds = array<i64: 1, 512, 2048>}, {transform_indices = @transform_1, window_bounds = array<i64: 1, 512, 2048>}, {transform_indices = @transform_2, window_bounds = array<i64: 1, 512, 1024>}]} {
    %get3A = arith.constant 0 : index
    %get3A_0 = arith.constant 0 : index
    %get3A_1 = arith.constant 0 : index
    %get3A_2 = vector.load %arg2[%get3A, %get3A_0, %get3A_1] : memref<1x512x2048xf32, #tpu.memory_space<vmem>>, vector<1x512x2048xf32>
    %get3A_3 = arith.constant 0 : index
    %get3A_4 = arith.constant 0 : index
    %get3A_5 = arith.constant 0 : index
    %get3A_6 = vector.load %arg3[%get3A_3, %get3A_4, %get3A_5] : memref<1x512x2048xf32, #tpu.memory_space<vmem>>, vector<1x512x2048xf32>
    %max3A = arith.constant 0.000000e+00 : f32
    %max3A_7 = vector.broadcast %max3A : f32 to vector<1x512x2048xf32>
    %max3A_8 = arith.maximumf %get3A_2, %max3A_7 : vector<1x512x2048xf32>
    %mul3A = arith.mulf %get3A_2, %get3A_6 : vector<1x512x2048xf32>
    %sub3A = arith.subf %max3A_8, %mul3A : vector<1x512x2048xf32>
    %abs3A = math.absf %get3A_2 : vector<1x512x2048xf32>
    %neg3A = arith.constant 0.000000e+00 : f32
    %neg3A_9 = vector.broadcast %neg3A : f32 to vector<1x512x2048xf32>
    %neg3A_10 = arith.subf %neg3A_9, %abs3A : vector<1x512x2048xf32>
    %exp3A = math.exp %neg3A_10 : vector<1x512x2048xf32>
    %add3A = arith.constant 1.000000e+00 : f32
    %add3A_11 = vector.broadcast %add3A : f32 to vector<1x512x2048xf32>
    %add3A_12 = arith.addf %add3A_11, %exp3A : vector<1x512x2048xf32>
    %log3A = math.log %add3A_12 : vector<1x512x2048xf32>
    %add3A_13 = arith.addf %sub3A, %log3A : vector<1x512x2048xf32>
    %bitcast_convert_type3A = tpu.bitcast %add3A_13 : vector<1x512x2048xf32> -> vector<1x512x2048xi32>
    %add3A_14 = arith.constant 32768 : i32
    %add3A_15 = vector.broadcast %add3A_14 : i32 to vector<1x512x2048xi32>
    %add3A_16 = arith.addi %bitcast_convert_type3A, %add3A_15 : vector<1x512x2048xi32>
    %slice3A = vector.extract_strided_slice %add3A_16 {offsets = [0, 0, 0], sizes = [1, 512, 1024], strides = [1, 1, 1]} : vector<1x512x2048xi32> to vector<1x512x1024xi32>
    %and3A = arith.constant -65536 : i32
    %and3A_17 = vector.broadcast %and3A : i32 to vector<1x512x1024xi32>
    %and3A_18 = arith.andi %slice3A, %and3A_17 : vector<1x512x1024xi32>
    %slice3A_19 = vector.extract_strided_slice %add3A_16 {offsets = [0, 0, 1024], sizes = [1, 512, 1024], strides = [1, 1, 1]} : vector<1x512x2048xi32> to vector<1x512x1024xi32>
    %shift_right_logical3A = arith.constant 16 : i32
    %shift_right_logical3A_20 = vector.broadcast %shift_right_logical3A : i32 to vector<1x512x1024xi32>
    %shift_right_logical3A_21 = arith.shrui %slice3A_19, %shift_right_logical3A_20 : vector<1x512x1024xi32>
    %or3A = arith.ori %and3A_18, %shift_right_logical3A_21 : vector<1x512x1024xi32>
    %swap3A = arith.constant 0 : index
    %swap3A_22 = arith.constant 0 : index
    %swap3A_23 = arith.constant 0 : index
    %swap3A_24 = vector.load %arg4[%swap3A, %swap3A_22, %swap3A_23] : memref<1x512x1024xi32, #tpu.memory_space<vmem>>, vector<1x512x1024xi32>
    tpu.vector_store %arg4[%swap3A, %swap3A_22, %swap3A_23], %or3A {strides = array<i32>} : memref<1x512x1024xi32, #tpu.memory_space<vmem>>, vector<1x512x1024xi32>,
    return
  }
  func.func @transform_0(%arg0: i32, %arg1: i32) -> (i32, i32, i32) {
    %add3A = arith.constant 0 : i32
    %add3A_0 = arith.addi %arg0, %add3A : i32
    %c0_i32 = arith.constant 0 : i32
    %c0_i32_1 = arith.constant 0 : i32
    return %add3A_0, %arg1, %c0_i32 : i32, i32, i32
  }
  func.func @transform_1(%arg0: i32, %arg1: i32) -> (i32, i32, i32) {
    %add3A = arith.constant 0 : i32
    %add3A_0 = arith.addi %arg0, %add3A : i32
    %c0_i32 = arith.constant 0 : i32
    %c0_i32_1 = arith.constant 0 : i32
    return %add3A_0, %arg1, %c0_i32 : i32, i32, i32
  }
  func.func @transform_2(%arg0: i32, %arg1: i32) -> (i32, i32, i32) {
    %c0_i32 = arith.constant 0 : i32
    %c0_i32_0 = arith.constant 0 : i32
    return %arg0, %arg1, %c0_i32 : i32, i32, i32
  }
}

module attributes {stable_mosaic.version = 14 : i64} {
  func.func @_select_body(%arg0: memref<512x2048xf32, #tpu.memory_space<vmem>>, %arg1: memref<512x2048xf32, #tpu.memory_space<vmem>>, %arg2: memref<1x1xf32, #tpu.memory_space<vmem>>) attributes {dimension_semantics = [], scalar_prefetch = 0 : i64, scratch_operands = 0 : i64, tpu.core_type = #tpu.core_type<tc>} {
    %get3A = arith.constant 0 : index
    %get3A_0 = arith.constant 0 : index
    %get3A_1 = vector.load %arg0[%get3A, %get3A_0] : memref<512x2048xf32, #tpu.memory_space<vmem>>, vector<512x2048xf32>
    %reshape3A = vector.shape_cast %get3A_1 : vector<512x2048xf32> to vector<4x128x2048xf32>
    %reduce_sum3A = arith.constant dense<0.000000e+00> : vector<4x2048xf32>
    %reduce_sum3A_2 = vector.multi_reduction <add>, %reshape3A, %reduce_sum3A [1] : vector<4x128x2048xf32> to vector<4x2048xf32>
    %get3A_3 = arith.constant 0 : index
    %get3A_4 = arith.constant 0 : index
    %get3A_5 = vector.load %arg1[%get3A_3, %get3A_4] : memref<512x2048xf32, #tpu.memory_space<vmem>>, vector<512x2048xf32>
    %reshape3A_6 = vector.shape_cast %get3A_5 : vector<512x2048xf32> to vector<4x128x2048xf32>
    %reduce_sum3A_7 = arith.constant dense<0.000000e+00> : vector<4x2048xf32>
    %reduce_sum3A_8 = vector.multi_reduction <add>, %reshape3A_6, %reduce_sum3A_7 [1] : vector<4x128x2048xf32> to vector<4x2048xf32>
    %iota3A = tpu.iota {dimensions = array<i32: 0>} : vector<2048x2048xi32>
    %iota3A_9 = tpu.iota {dimensions = array<i32: 1>} : vector<2048x2048xi32>
    %le3A = arith.cmpi sle, %iota3A, %iota3A_9 : vector<2048x2048xi32>
    %convert_element_type3A = arith.extui %le3A : vector<2048x2048xi1> to vector<2048x2048xi32>
    %convert_element_type3A_10 = arith.sitofp %convert_element_type3A : vector<2048x2048xi32> to vector<2048x2048xf32>
    %dot_general3A = arith.constant dense<0.000000e+00> : vector<4x2048xf32>
    %dot_general3A_11 = tpu.matmul %reduce_sum3A_2, %convert_element_type3A_10, %dot_general3A {dimension_numbers = #tpu.dot_dimension_numbers<[1], [0], [0], [1], [0, 0, 1, 1], [], []>, precision = #tpu.contract_precision<fp32>, transpose_lhs_hint = false} : vector<4x2048xf32>, vector<2048x2048xf32>, vector<4x2048xf32> -> vector<4x2048xf32>
    %dot_general3A_12 = arith.constant dense<0.000000e+00> : vector<4x2048xf32>
    %dot_general3A_13 = tpu.matmul %reduce_sum3A_8, %convert_element_type3A_10, %dot_general3A_12 {dimension_numbers = #tpu.dot_dimension_numbers<[1], [0], [0], [1], [0, 0, 1, 1], [], []>, precision = #tpu.contract_precision<fp32>, transpose_lhs_hint = false} : vector<4x2048xf32>, vector<2048x2048xf32>, vector<4x2048xf32> -> vector<4x2048xf32>
    %slice3A = vector.extract_strided_slice %dot_general3A_13 {offsets = [0, 2047], sizes = [4, 1], strides = [1, 1]} : vector<4x2048xf32> to vector<4x1xf32>
    %squeeze3A = vector.shape_cast %slice3A : vector<4x1xf32> to vector<4xf32>
    %sub3A = arith.subf %dot_general3A_11, %reduce_sum3A_2 : vector<4x2048xf32>
    %le3A_14 = arith.constant 0x49CCCCD0 : f32
    %le3A_15 = vector.broadcast %le3A_14 : f32 to vector<4x2048xf32>
    %le3A_16 = arith.cmpf ole, %sub3A, %le3A_15 : vector<4x2048xf32>
    %add3A = arith.constant 0x49CCCCD0 : f32
    %add3A_17 = arith.constant 1.000000e+00 : f32
    %add3A_18 = arith.addf %add3A, %add3A_17 : f32
    %ge3A = vector.broadcast %add3A_18 : f32 to vector<4x2048xf32>
    %ge3A_19 = arith.cmpf oge, %dot_general3A_11, %ge3A : vector<4x2048xf32>
    %and3A = arith.andi %le3A_16, %ge3A_19 : vector<4x2048xi1>
    %convert_element_type3A_20 = arith.extui %and3A : vector<4x2048xi1> to vector<4x2048xi32>
    %convert_element_type3A_21 = arith.sitofp %convert_element_type3A_20 : vector<4x2048xi32> to vector<4x2048xf32>
    %iota3A_22 = tpu.iota {dimensions = array<i32: 1>} : vector<4x2048xi32>
    %shift_left3A = arith.constant 20 : i32
    %shift_left3A_23 = vector.broadcast %shift_left3A : i32 to vector<4x2048xi32>
    %shift_left3A_24 = arith.shli %iota3A_22, %shift_left3A_23 : vector<4x2048xi32>
    %bitcast_convert_type3A = tpu.bitcast %shift_left3A_24 : vector<4x2048xi32> -> vector<4x2048xf32>
    %add3A_25 = arith.constant 1 : i32
    %add3A_26 = vector.broadcast %add3A_25 : i32 to vector<4x2048xi32>
    %add3A_27 = arith.addi %iota3A_22, %add3A_26 : vector<4x2048xi32>
    %shift_left3A_28 = arith.constant 20 : i32
    %shift_left3A_29 = vector.broadcast %shift_left3A_28 : i32 to vector<4x2048xi32>
    %shift_left3A_30 = arith.shli %add3A_27, %shift_left3A_29 : vector<4x2048xi32>
    %bitcast_convert_type3A_31 = tpu.bitcast %shift_left3A_30 : vector<4x2048xi32> -> vector<4x2048xf32>
    %sub3A_32 = arith.subf %bitcast_convert_type3A_31, %bitcast_convert_type3A : vector<4x2048xf32>
    %max3A = arith.constant 0.000000e+00 : f32
    %max3A_33 = vector.broadcast %max3A : f32 to vector<4x2048xf32>
    %max3A_34 = arith.maximumf %sub3A_32, %max3A_33 : vector<4x2048xf32>
    %mul3A = arith.mulf %convert_element_type3A_21, %reduce_sum3A_2 : vector<4x2048xf32>
    %reduce_sum3A_35 = arith.constant dense<0.000000e+00> : vector<4xf32>
    %reduce_sum3A_36 = vector.multi_reduction <add>, %mul3A, %reduce_sum3A_35 [1] : vector<4x2048xf32> to vector<4xf32>
    %mul3A_37 = arith.mulf %convert_element_type3A_21, %sub3A : vector<4x2048xf32>
    %reduce_sum3A_38 = arith.constant dense<0.000000e+00> : vector<4xf32>
    %reduce_sum3A_39 = vector.multi_reduction <add>, %mul3A_37, %reduce_sum3A_38 [1] : vector<4x2048xf32> to vector<4xf32>
    %mul3A_40 = arith.mulf %convert_element_type3A_21, %reduce_sum3A_8 : vector<4x2048xf32>
    %reduce_sum3A_41 = arith.constant dense<0.000000e+00> : vector<4xf32>
    %reduce_sum3A_42 = vector.multi_reduction <add>, %mul3A_40, %reduce_sum3A_41 [1] : vector<4x2048xf32> to vector<4xf32>
    %mul3A_43 = arith.mulf %convert_element_type3A_21, %dot_general3A_13 : vector<4x2048xf32>
    %reduce_sum3A_44 = arith.constant dense<0.000000e+00> : vector<4xf32>
    %reduce_sum3A_45 = vector.multi_reduction <add>, %mul3A_43, %reduce_sum3A_44 [1] : vector<4x2048xf32> to vector<4xf32>
    %mul3A_46 = arith.mulf %convert_element_type3A_21, %max3A_34 : vector<4x2048xf32>
    %reduce_sum3A_47 = arith.constant dense<0.000000e+00> : vector<4xf32>
    %reduce_sum3A_48 = vector.multi_reduction <add>, %mul3A_46, %reduce_sum3A_47 [1] : vector<4x2048xf32> to vector<4xf32>
    %sub3A_49 = arith.constant 0x49CCCCD0 : f32
    %sub3A_50 = vector.broadcast %sub3A_49 : f32 to vector<4xf32>
    %sub3A_51 = arith.subf %sub3A_50, %reduce_sum3A_39 : vector<4xf32>
    %sub3A_52 = arith.subf %reduce_sum3A_36, %sub3A_51 : vector<4xf32>
    %sub3A_53 = arith.subf %squeeze3A, %reduce_sum3A_45 : vector<4xf32>
    %div3A = arith.divf %reduce_sum3A_42, %reduce_sum3A_36 : vector<4xf32>
    %sub3A_54 = arith.subf %reduce_sum3A_36, %sub3A_52 : vector<4xf32>
    %mul3A_55 = arith.mulf %reduce_sum3A_48, %sub3A_54 : vector<4xf32>
    %mul3A_56 = arith.constant 2.000000e+00 : f32
    %mul3A_57 = vector.broadcast %mul3A_56 : f32 to vector<4xf32>
    %mul3A_58 = arith.mulf %mul3A_57, %reduce_sum3A_36 : vector<4xf32>
    %div3A_59 = arith.divf %mul3A_55, %mul3A_58 : vector<4xf32>
    %add3A_60 = arith.addf %div3A, %div3A_59 : vector<4xf32>
    %mul3A_61 = arith.mulf %sub3A_52, %add3A_60 : vector<4xf32>
    %add3A_62 = arith.addf %sub3A_53, %mul3A_61 : vector<4xf32>
    %reduce_sum3A_63 = vector.shape_cast %add3A_62 : vector<4xf32> to vector<1x4xf32>
    %reduce_sum3A_64 = arith.constant dense<0.000000e+00> : vector<1xf32>
    %reduce_sum3A_65 = vector.multi_reduction <add>, %reduce_sum3A_63, %reduce_sum3A_64 [1] : vector<1x4xf32> to vector<1xf32>
    %reduce_sum3A_66 = vector.shape_cast %reduce_sum3A_65 : vector<1xf32> to vector<1x1xf32>
    %reduce_sum3A_67 = vector.extract %reduce_sum3A_66[0, 0] : f32 from vector<1x1xf32>
    %div3A_68 = arith.constant 0x4BCCCCCC : f32
    %div3A_69 = arith.divf %reduce_sum3A_67, %div3A_68 : f32
    %reshape3A_70 = vector.broadcast %div3A_69 : f32 to vector<1x1xf32>
    %swap3A = arith.constant 0 : index
    %swap3A_71 = arith.constant 0 : index
    %swap3A_72 = vector.load %arg2[%swap3A, %swap3A_71] : memref<1x1xf32, #tpu.memory_space<vmem>>, vector<1x1xf32>
    tpu.vector_store %arg2[%swap3A, %swap3A_71], %reshape3A_70 {strides = array<i32>} : memref<1x1xf32, #tpu.memory_space<vmem>>, vector<1x1xf32>,
    return
  }
}

</mosaic_0001>

<sc_bundles>
// kernel: kernel.5.cloned.1.call-start
scs
__scs_entry_jumppad:
0x0: {  	(pc) =	sbr.rel $0x88, $3  }
0x1: {  	(tag) =	ssettag $0x0;
	lr =	simm.s32 $0x1  }
0x2: {  	[smem:$0x3F9F] =	sst lr;
	_ =	strace $0xD0000000  }
0x3: {  	_ = 	snop  }
0x4: {  	_ = 	snop  }
0x5: {  	_ = 	snop  }
0x6: {  	_ = 	snop  }
0x7: {  	_ = 	snop  }
__scs_overlays_trampoline_lowered:
0x8: {  	[smem:$0x3FAE] =	sst s0  }
0x9: {  	[smem:$0x3FAF] =	sst s1  }
0xa: {  	[smem:$0x3FB0] =	sst s2  }
0xb: {  	[smem:$0x3FB1] =	sst s3  }
0xc: {  	[smem:$0x3FB2] =	sst s4  }
0xd: {  	[smem:$0x3FB3] =	sst s5  }
0xe: {  	[smem:$0x3FB4] =	sst s6  }
0xf: {  	[smem:$0x3FB5] =	sst s7  }
0x10: {  	[smem:$0x3FB6] =	sst s8  }
0x11: {  	[smem:$0x3FB7] =	sst s9;
	s0 =	simm.s32 @!p0 $0x0  }
0x12: {  	s1 =	sld [smem:$0x3F9D];
	s0 =	simm.s32 @p0 $0x1  }
0x13: {  	[smem:$0x3FB8] =	sst s0;
	s0 =	simm.s32 @!p1 $0x0  }
0x14: {  	s2 =	sld [smem:$0x3F9C];
	s0 =	simm.s32 @p1 $0x1  }
0x15: {  	[smem:$0x3FB9] =	sst s0;
	s0 =	simm.s32 @!p2 $0x0  }
0x16: {  	s3 =	sld [smem:$0x3FDB];
	s0 =	simm.s32 @p2 $0x1  }
0x17: {  	s4 =	simm.s32 $0x1BF5;
	[smem:$0x3FBB] =	sst s0  }
0x18: {  	s0 =	sld [smem:$0x3F9E];
	_ =	swait.ge [sflag:s4], $0x0  }
0x19: {  	s7 =	sld [smem:$0x3F9F]  }
0x1a: {  	s8 =	sadd.s32 $0xFFFFE003, lr  }
0x1b: {  	s9 =	sadd.s32 $0xFFFFFEF7, lr;
	s5 =	simm.s32 $0xFFFFFFFF;
	p2 =	slt.u32 s8, $0xFFFFF086  }
0x1c: {  	p1 =	slt.u32 s9, $0xF7A;
	s5 =	simm.s32 @!p2 $0x0  }
0x1d: {  	s5 =	simm.s32 @p1 $0x1;
	p0 =	seq.s32 s7, s2  }
0x1e: {  	s7 =	smul.u32 @!p0 $0xF7A, s2;
	p2 =	seq.s32 @!p0 s5, $0x0  }
0x1f: {  	s9 =	smul.u32 $0xF7A, s1;
	s8 =	simm.s32 @!p0 $0x1BF5;
	p2 =	por !p2, p0  }
0x20: {  	[sflag:s8] =	ssyncset.s32 @!p0 $0xFFFFF086;
	s6 =	sadd.s32 @!p0 s3, s7;
	s7 =	simm.s32 @!p0 $0x108  }
0x21: {  	s3 =	sadd.s32 s3, s9;
	s6 =	sadd.s32 @!p0 $0x88, s6;
	s7 =	simm.s32 @p2 $0x1082  }
0x22: {  	[simem:s7], [sflag:s8] =	dma.local @!p0 [hbm:s6], $0xF7A  }
0x23: {  	s9 =	sor.u32 $0xD0000000, s2;
	s6 =	simm.s32 $0x108;
	_ =	swait.ge @!p0 [sflag:s8], $0x0  }
0x24: {  	s3 =	sadd.s32 $0x88, s3;
	s6 =	simm.s32 @!p1 $0x1082;
	[sflag:s4] =	ssyncset.s32 $0xFFFFF086  }
0x25: {  	[simem:s6], [sflag:s4] =	dma.local [hbm:s3], $0xF7A  }
0x26: {  	[smem:$0x3F9F] =	sst s1;
	(tag) =	ssettag s2;
	_ =	strace s9  }
0x27: {  	s1 =	sld [smem:$0x3FAF]  }
0x28: {  	s2 =	sld [smem:$0x3FB0]  }
0x29: {  	s4 =	sld [smem:$0x3FB2]  }
0x2a: {  	p0 =	seq.s32 s5, $0x0;
	s5 =	sld [smem:$0x3FB3]  }
0x2b: {  	s6 =	sld [smem:$0x3FB4]  }
0x2c: {  	s7 =	sld [smem:$0x3FB5]  }
0x2d: {  	s3 =	simm.s32 $0x108;
	s8 =	sld [smem:$0x3FB6]  }
0x2e: {  	s3 =	simm.s32 @!p0 $0x1082;
	s9 =	sld [smem:$0x3FB7]  }
0x2f: {  	lr =	sadd.s32 s0, s3;
	s0 =	sld [smem:$0x3FAE]  }
0x30: {  	s3 =	sld [smem:$0x3FB1]  }
0x31: {  	[smem:$0x3FBA] =	sst s10  }
0x32: {  	s10 =	sld [smem:$0x3FB8];
	_ =	sdelay $0x3  }
0x33: {  	p0 =	seq.s32 s10, $0x1;
	s10 =	sld [smem:$0x3FBA];
	_ =	sdelay $0x3  }
0x34: {  	[smem:$0x3FBA] =	sst s10  }
0x35: {  	s10 =	sld [smem:$0x3FB9];
	_ =	sdelay $0x3  }
0x36: {  	p1 =	seq.s32 s10, $0x1;
	s10 =	sld [smem:$0x3FBA];
	_ =	sdelay $0x3  }
0x37: {  	[smem:$0x3FBA] =	sst s10  }
0x38: {  	s10 =	sld [smem:$0x3FBB]  }
0x39: {  	_ = 	snop;
	(pc) =	sbr.ind lr, $3  }
0x3a: {  	_ = 	snop  }
0x3b: {  	_ = 	snop  }
0x3c: {  	p2 =	seq.s32 s10, $0x1;
	s10 =	sld [smem:$0x3FBA]  }
0x3d: {  	_ =	shalt  }
0x3e: {  	_ =	shalt  }
0x3f: {  	_ =	shalt  }
0x40: {  	_ =	shalt  }
0x41: {  	_ =	shalt  }
0x42: {  	_ =	shalt  }
0x43: {  	_ =	shalt  }
0x44: {  	_ =	shalt  }
0x45: {  	_ =	shalt  }
0x46: {  	_ =	shalt  }
0x47: {  	_ =	shalt  }
0x48: {  	_ =	shalt  }
0x49: {  	_ =	shalt  }
0x4a: {  	_ =	shalt  }
0x4b: {  	_ =	shalt  }
0x4c: {  	_ =	shalt  }
0x4d: {  	_ =	shalt  }
0x4e: {  	_ =	shalt  }
0x4f: {  	_ =	shalt  }
0x50: {  	_ =	shalt  }
0x51: {  	_ =	shalt  }
0x52: {  	_ =	shalt  }
0x53: {  	_ =	shalt  }
0x54: {  	_ =	shalt  }
0x55: {  	_ =	shalt  }
0x56: {  	_ =	shalt  }
0x57: {  	_ =	shalt  }
0x58: {  	_ =	shalt  }
0x59: {  	_ =	shalt  }
0x5a: {  	_ =	shalt  }
0x5b: {  	_ =	shalt  }
0x5c: {  	_ =	shalt  }
0x5d: {  	_ =	shalt  }
0x5e: {  	_ =	shalt  }
0x5f: {  	_ =	shalt  }
0x60: {  	_ =	shalt  }
0x61: {  	_ =	shalt  }
0x62: {  	_ =	shalt  }
0x63: {  	_ =	shalt  }
0x64: {  	_ =	shalt  }
0x65: {  	_ =	shalt  }
0x66: {  	_ =	shalt  }
0x67: {  	_ =	shalt  }
0x68: {  	_ =	shalt  }
0x69: {  	_ =	shalt  }
0x6a: {  	_ =	shalt  }
0x6b: {  	_ =	shalt  }
0x6c: {  	_ =	shalt  }
0x6d: {  	_ =	shalt  }
0x6e: {  	_ =	shalt  }
0x6f: {  	_ =	shalt  }
0x70: {  	_ =	shalt  }
0x71: {  	_ =	shalt  }
0x72: {  	_ =	shalt  }
0x73: {  	_ =	shalt  }
0x74: {  	_ =	shalt  }
0x75: {  	_ =	shalt  }
0x76: {  	_ =	shalt  }
0x77: {  	_ =	shalt  }
0x78: {  	_ =	shalt  }
0x79: {  	_ =	shalt  }
0x7a: {  	_ =	shalt  }
0x7b: {  	_ =	shalt  }
0x7c: {  	_ =	shalt  }
0x7d: {  	_ =	shalt  }
0x7e: {  	_ =	shalt  }
0x7f: {  	_ =	shalt  }
0x80: {  	_ =	shalt  }
0x81: {  	_ =	shalt  }
0x82: {  	_ =	shalt  }
0x83: {  	_ =	shalt  }
0x84: {  	_ =	shalt  }
0x85: {  	_ =	shalt  }
0x86: {  	_ =	shalt  }
0x87: {  	_ =	shalt  }
.Lfunc_end0:
.L_simem_size_0:
called_computation.1_lowered:
.L_overlay_start_0:
0x88: {  	s2 =	sld [smem:$0x3FD9]  }
0x89: {  	s3 =	sld [smem:$0x3FFE];
	_ =	sdelay $0x1  }
0x8a: {  	s1 =	srdreg.scid  }
0x8b: {  	s0 =	sand.u32 $0x1, s1  }
0x8c: {  	s16 =	sshll.u32 s0, $0xA;
	s2 =	sadd.s32 s3, s2  }
0x8d: {  	s2 =	sadd.s32 s2, s16  }
0x8e: {  	[smem:$0x3FC6] =	sst s2  }
0x8f: {  	_ = 	snop  }
0x90: {  	(tm) =	ssettm $0x1  }
0x91: {  	s17 =	sld [smem:$0x3FFB];
	_ =	sdelay $0x3  }
0x92: {  	_ =	strace s17  }
0x93: {  	s2 =	sld [smem:$0x3FFC];
	_ =	sdelay $0x3  }
0x94: {  	_ =	strace s2  }
0x95: {  	s2 =	sld [smem:$0x3FFD];
	_ =	sdelay $0x3  }
0x96: {  	_ =	strace s2  }
0x97: {  	_ =	strace $0x8FFFFFFF  }
0x98: {  	s18 =	sld [smem:$0x3FDB];
	_ =	sdelay $0x1  }
0x99: {  	s19 =	simm.s32 $_scs_section_size  }
0x9a: {  	s4 =	simm.s32 $_size__tile_overlayer_lowered;
	s5 =	simm.s32 $_tile_overlayer_lowered  }
0x9b: {  	s22 =	simm.s32 $0x1BFF;
	s21 =	sshll.u32 s5, $0x1;
	s2 =	sadd.s32 s19, s18  }
0x9c: {  	s6 =	simm.s32 $0x0;
	s20 =	sshll.u32 s4, $0x1;
	s4 =	sadd.s32 s21, s2  }
0x9d: {  	[timem:s6], [sflag:s22] =	dma.local [hbm:s4], s20  }
0x9e: {  	_ =	swait.ge [sflag:s22], s20  }
0x9f: {  	s3 =	ssub.s32 $0x0, s20;
	[sflag:s22] =	ssyncset.done $0x0  }
0xa0: {  	[sflag:s22] =	ssyncadd.s32 s3;
	_ =	sdelay $0x1  }
0xa1: {  	s23 =	simm.s32 $0x1B8B  }
0xa2: {  	_ =	swait.ge [sflag:s23], $0x1  }
0xa3: {  	[sflag:s23] =	ssyncset.done $0x0  }
0xa4: {  	s25 =	simm.s32 $0x1B8E;
	s24 =	sld [smem:$0x3FFE];
	[sflag:s23] =	ssyncadd.s32 $0xFFFFFFFF  }
0xa5: {  	s26 =	simm.s32 $execute0_lowered;
	[smem:$0x3FD2] =	sst s25  }
0xa6: {  	s4 =	sshll.u32 s26, $0x1;
	_ =	strace $0x80000049;
	[dreg:$0x1] =	wrdreg $0xFFFFFFFF  }
0xa7: {  	s28 =	simm.s32 $_size_execute0_lowered;
	s2 =	sadd.s32 s2, s4;
	[dreg:$0x0] =	wrdreg $0x0  }
0xa8: {  	s4 =	sshll.u32 s28, $0x1;
	[dreg:$0x2] =	wrdreg s2  }
0xa9: {  	[dreg:$0x3] =	wrdreg s4  }
0xaa: {  	[dreg:$0x4] =	wrdreg $0xC0  }
0xab: {  	_ =	task [dreg:s6], $0x5FFFF  }
0xac: {  	[dreg:$0x1] =	wrdreg $0xFFFFFFFF  }
0xad: {  	[dreg:$0x0] =	wrdreg $0x60  }
0xae: {  	[dreg:$0x2] =	wrdreg s24  }
0xaf: {  	[dreg:$0x3] =	wrdreg $0x9  }
0xb0: {  	_ =	task.clear_ibuf [dreg:s6], $0x4FFFF;
	_ =	strace $0x90000049  }
0xb1: {  	s29 =	simm.s32 $0x9;
	_ =	strace $0x8000004B  }
0xb2: {  	_ =	swait.ge [sflag:s29], $0x1  }
0xb3: {  	[sflag:s29] =	ssyncadd.s32 $0xFFFFFFFF  }
0xb4: {  	_ =	strace $0x9000004B  }
0xb5: {  	_ =	sfence  }
0xb6: {  	s30 =	sld [smem:$0x0];
	_ =	sdelay $0x2  }
0xb7: {  	s31 =	sshll.u32 s1, $0xD;
	s1 =	sshrl.u32 s1, $0x2  }
0xb8: {  	s3 =	sand.u32 $0x4000, s31;
	s1 =	sadd.s32 s1, s30  }
0xb9: {  	s0 =	sor.u32 s3, s0;
	s1 =	sshll.u32 s1, $0x11  }
0xba: {  	s0 =	sor.u32 s1, s0  }
0xbb: {  	s0 =	sadd.s32 $0x8F2B, s0  }
0xbc: {  	[sflag:s0] =	ssyncadd.remote.s32 $0x1  }
0xbd: {  	_ =	sfence.sel $0xFFFF  }
0xbe: {  	[dreg:$0x0] =	wrdreg $0xFFFFFFFF;
	(pc) =	sbr.abs _section_cstart, $3  }
0xbf: {  	[dreg:$0x1] =	wrdreg $0xFFFFFFFF  }
0xc0: {  	_ =	task.clear_ibuf [dreg:s6], $0x2FFFF;
	_ =	strace $0x9FFFFFFF  }
0xc1: {  	(tm) =	ssettm $0x7FFFFFFF  }
tec
execute0_lowered:
.L_overlay_start_1:
0x0: {  	(tag) =	ssettag $0x1  }
0x1: {  	s4 =	rddreg [dreg:$0x0]  }
0x2: {  	s1 =	srdreg.scid;
	s0 =	rddreg [dreg:$0x1]  }
0x3: {  	s2 =	simm.s32 $0x0;
	s10 =	simm.s32 $0x1;
	s11 =	simm.s32 $0x4000  }
0x4: {  	s12 =	simm.s32 $0x8000;
	s13 =	simm.s32 $0x10000;
	s14 =	simm.s32 $0x2  }
0x5: {  	s15 =	simm.s32 $0x3;
	s16 =	simm.s32 $0x0;
	s3 =	sand.u32 $0x1, s1  }
0x6: {  	s1 =	stileid.u32;
	s5 =	sshll.u32 s3, $0x4;
	s7 =	ssub.s32 $0x2, s3  }
0x7: {  	[smem:$0x7FF] =	sst s2;
	s5 =	sor.u32 s1, s5;
	s31 =	sshrl.u32 s7, $0x1  }
0x8: {  	s3 =	sadd.s32 $0x200C00, s4;
	s6 =	sshll.u32 s5, $0xC;
	s9 =	ssub.s32 s7, s31  }
0x9: {  	s8 =	sadd.s32 s6, s4;
	s4 =	sshll.u32 s5, $0x13;
	s5 =	sshll.u32 s5, $0x10  }
0xa: {  	v1 =	vlaneseq.u32;
	_ =	strace $0x8000004A;
	s9 =	smax.u32 s9, $0x1;
	s5 =	sadd.s32 s3, s5  }
0xb: {  	v0 =	vimm.f32 $0.0e+00;
	v2 =	vimm.f32 $1.000000000e+00;
	v1 =	vmul.u32 $0x800, v1;
	s6 =	sor.u32 $0x8000, s4;
	s7 =	sadd.s32 $0xC00, s8;
	s8 =	sadd.s32 $0x20C00, s8  }
.LBB2_1:
0xc: {  	s17 =	simm.s32 $0x0;
	s18 =	simm.s32 $0x40  }
.LBB2_2:
0xd: {  	p0 =	sne.s32 s18, $0x1FC0;
	[tilespmem:s17+$0x17800] =	vst v0  }
0xe: {  	[tilespmem:s17+$0x8000] =	vst v0  }
0xf: {  	[tilespmem:s17+$0x10000] =	vst v0  }
0x10: {  	[tilespmem:s17+$0x8800] =	vst v0  }
0x11: {  	[tilespmem:s17+$0x10800] =	vst v0  }
0x12: {  	[tilespmem:s17+$0x9000] =	vst v0  }
0x13: {  	[tilespmem:s17+$0x11000] =	vst v0  }
0x14: {  	[tilespmem:s17+$0x9800] =	vst v0  }
0x15: {  	[tilespmem:s17+$0x11800] =	vst v0  }
0x16: {  	[tilespmem:s17+$0xA000] =	vst v0  }
0x17: {  	[tilespmem:s17+$0x12000] =	vst v0  }
0x18: {  	[tilespmem:s17+$0xA800] =	vst v0  }
0x19: {  	[tilespmem:s17+$0x12800] =	vst v0  }
0x1a: {  	[tilespmem:s17+$0xB000] =	vst v0  }
0x1b: {  	[tilespmem:s17+$0x13000] =	vst v0  }
0x1c: {  	[tilespmem:s17+$0xB800] =	vst v0  }
0x1d: {  	[tilespmem:s17+$0x13800] =	vst v0  }
0x1e: {  	[tilespmem:s17+$0xC000] =	vst v0  }
0x1f: {  	[tilespmem:s17+$0x14000] =	vst v0  }
0x20: {  	[tilespmem:s17+$0xC800] =	vst v0  }
0x21: {  	[tilespmem:s17+$0x14800] =	vst v0  }
0x22: {  	[tilespmem:s17+$0xD000] =	vst v0  }
0x23: {  	[tilespmem:s17+$0x15000] =	vst v0  }
0x24: {  	[tilespmem:s17+$0xD800] =	vst v0  }
0x25: {  	[tilespmem:s17+$0x15800] =	vst v0  }
0x26: {  	[tilespmem:s17+$0xE000] =	vst v0  }
0x27: {  	[tilespmem:s17+$0x16000] =	vst v0  }
.Ltmp0:
0x28: {  	[tilespmem:s17+$0xE800] =	vst v0;
	(pc) =	sbr.rel @p0 .LBB2_2-.Ltmp0, $4  }
0x29: {  	[tilespmem:s17+$0x16800] =	vst v0  }
0x2a: {  	[tilespmem:s17+$0xF000] =	vst v0  }
0x2b: {  	[tilespmem:s17+$0x17000] =	vst v0  }
0x2c: {  	[tilespmem:s17+$0xF800] =	vst v0;
	s17 =	sshra.s32 s18, $0x2;
	s18 =	sadd.s32 $0x40, s18  }
0x2d: {  	[tilespmem:s17+$0x17800] =	vst v0  }
0x2e: {  	[tilespmem:s17+$0x8000] =	vst v0  }
0x2f: {  	[tilespmem:s17+$0x10000] =	vst v0  }
0x30: {  	[tilespmem:s17+$0x8800] =	vst v0  }
0x31: {  	[tilespmem:s17+$0x10800] =	vst v0  }
0x32: {  	[tilespmem:s17+$0x9000] =	vst v0  }
0x33: {  	[tilespmem:s17+$0x11000] =	vst v0  }
0x34: {  	[tilespmem:s17+$0x9800] =	vst v0  }
0x35: {  	[tilespmem:s17+$0x11800] =	vst v0  }
0x36: {  	[tilespmem:s17+$0xA000] =	vst v0  }
0x37: {  	[tilespmem:s17+$0x12000] =	vst v0  }
0x38: {  	[tilespmem:s17+$0xA800] =	vst v0  }
0x39: {  	[tilespmem:s17+$0x12800] =	vst v0  }
0x3a: {  	[tilespmem:s17+$0xB000] =	vst v0  }
0x3b: {  	[tilespmem:s17+$0x13000] =	vst v0  }
0x3c: {  	[tilespmem:s17+$0xB800] =	vst v0  }
0x3d: {  	[tilespmem:s17+$0x13800] =	vst v0  }
0x3e: {  	[tilespmem:s17+$0xC000] =	vst v0  }
0x3f: {  	[tilespmem:s17+$0x14000] =	vst v0  }
0x40: {  	[tilespmem:s17+$0xC800] =	vst v0  }
0x41: {  	[tilespmem:s17+$0x14800] =	vst v0  }
0x42: {  	[tilespmem:s17+$0xD000] =	vst v0  }
0x43: {  	[tilespmem:s17+$0x15000] =	vst v0  }
0x44: {  	[tilespmem:s17+$0xD800] =	vst v0  }
0x45: {  	[tilespmem:s17+$0x15800] =	vst v0  }
0x46: {  	[tilespmem:s17+$0xE000] =	vst v0  }
0x47: {  	[tilespmem:s17+$0x16000] =	vst v0  }
0x48: {  	[tilespmem:s17+$0xE800] =	vst v0  }
0x49: {  	[tilespmem:s17+$0x16800] =	vst v0  }
0x4a: {  	[tilespmem:s17+$0xF000] =	vst v0  }
0x4b: {  	[tilespmem:s17+$0x17000] =	vst v0  }
0x4c: {  	[tilespmem:s17+$0xF800] =	vst v0;
	s17 =	simm.s32 $0x0  }
0x4d: {  	[tilespmem:s17], [sflag:$0x1] =	stream.linear.gather [hbm4b:s5+s17], $0x4000, $0x38;
	[tilespmem:$0x18000] =	vst v63  }
.LBB2_4:
0x4e: {  	s18 =	sshll.u32 s17, $0xF  }
0x4f: {  	s19 =	sor.u32 s18, s4  }
0x50: {  	_ =	swait.ge [sflag:s10], $0x4000;
	s19 =	sshrl.u32 s19, $0x3  }
0x51: {  	[sflag:s10] =	ssyncset.done $0x0;
	s19 =	sadd.s32 s19, s3  }
0x52: {  	[sflag:s10] =	ssyncadd.s32 $0xFFFFC000;
	s19 =	sadd.s32 $0x800, s19  }
0x53: {  	[tilespmem:s11], [sflag:$0x2] =	stream.linear.gather [hbm4b:s19+s2], $0x4000, $0x38;
	[tilespmem:$0x18000] =	vst v63  }
0x54: {  	s20 =	simm.s32 $0x80;
	s19 =	simm.s32 $0xFFFFFFF0  }
.LBB2_5:
0x55: {  	v3 =	vld [tilespmem:s20+$0xFFFFFF80];
	_ =	sdelay $0x3  }
0x56: {  	v5 =	vld [tilespmem:s20+$0xFFFFFF90]  }
0x57: {  	v8 =	vld [tilespmem:s20+$0xFFFFFFA0];
	v4 =	vshrl.u32 v3, $0x14  }
0x58: {  	v56 =	vld [tilespmem:s20+$0xFFFFFFB0];
	v6 =	vshrl.u32 v3, $0x4;
	v4 =	vadd.s32 v1, v4  }
0x59: {  	v61 =	vld [tilespmem:s20+$0xFFFFFFC0];
	v6 =	vand.u32 $0x7FF, v6  }
0x5a: {  	v13 =	vld [tilespmem:s20+$0xFFFFFFD0];
	v6 =	vor.u32 v1, v6  }
0x5b: {  	v17 =	vld [tilespmem:s20+$0xFFFFFFE0]  }
0x5c: {  	v22 =	vld [tilespmem:s20+$0xFFFFFFF0];
	v7 =	vshrl.u32 v5, $0x14  }
0x5d: {  	v9 =	vand.u32 $0xFFFF0000, v3;
	v10 =	vshrl.u32 v5, $0x4;
	v7 =	vadd.s32 v1, v7;
	[tilespmem:v4+s12+$0x0] =	vst.idx.add.f32.msk $0xffff, v2  }
0x5e: {  	v55 =	vand.u32 $0x7FF, v10;
	[tilespmem:v4+s13+$0x0] =	vst.idx.add.f32.msk $0xffff, v9  }
0x5f: {  	v3 =	vshll.u32 v3, $0x10;
	v4 =	vor.u32 v1, v55;
	[tilespmem:v6+s12+$0x0] =	vst.idx.add.f32.msk $0xffff, v2  }
0x60: {  	[tilespmem:v6+s13+$0x0] =	vst.idx.add.f32.msk $0xffff, v3;
	v3 =	vshrl.u32 v8, $0x14  }
0x61: {  	v26 =	vld [tilespmem:s20+$0x0];
	v3 =	vadd.s32 v1, v3  }
0x62: {  	v57 =	vand.u32 $0xFFFF0000, v5;
	v58 =	vshrl.u32 v8, $0x4;
	[tilespmem:v7+s12+$0x0] =	vst.idx.add.f32.msk $0xffff, v2  }
0x63: {  	v59 =	vand.u32 $0x7FF, v58;
	[tilespmem:v7+s13+$0x0] =	vst.idx.add.f32.msk $0xffff, v57  }
0x64: {  	v5 =	vshll.u32 v5, $0x10;
	v7 =	vor.u32 v1, v59;
	[tilespmem:v4+s12+$0x0] =	vst.idx.add.f32.msk $0xffff, v2  }
0x65: {  	v60 =	vshrl.u32 v56, $0x14;
	[tilespmem:v4+s13+$0x0] =	vst.idx.add.f32.msk $0xffff, v5  }
0x66: {  	v62 =	vand.u32 $0xFFFF0000, v8;
	v63 =	vshrl.u32 v56, $0x4;
	v4 =	vadd.s32 v1, v60;
	[tilespmem:v3+s12+$0x0] =	vst.idx.add.f32.msk $0xffff, v2  }
0x67: {  	[tilespmem:v3+s13+$0x0] =	vst.idx.add.f32.msk $0xffff, v62;
	v3 =	vand.u32 $0x7FF, v63  }
0x68: {  	v30 =	vld [tilespmem:s20+$0x10];
	v3 =	vor.u32 v1, v3  }
0x69: {  	v8 =	vshll.u32 v8, $0x10;
	[tilespmem:v7+s12+$0x0] =	vst.idx.add.f32.msk $0xffff, v2  }
0x6a: {  	v12 =	vshrl.u32 v61, $0x14;
	[tilespmem:v7+s13+$0x0] =	vst.idx.add.f32.msk $0xffff, v8  }
0x6b: {  	v14 =	vand.u32 $0xFFFF0000, v56;
	v15 =	vshrl.u32 v61, $0x4;
	[tilespmem:v4+s12+$0x0] =	vst.idx.add.f32.msk $0xffff, v2;
	v7 =	vadd.s32 v1, v12  }
0x6c: {  	v16 =	vand.u32 $0x7FF, v15;
	[tilespmem:v4+s13+$0x0] =	vst.idx.add.f32.msk $0xffff, v14  }
0x6d: {  	v6 =	vshll.u32 v56, $0x10;
	v4 =	vor.u32 v1, v16;
	[tilespmem:v3+s12+$0x0] =	vst.idx.add.f32.msk $0xffff, v2  }
0x6e: {  	[tilespmem:v3+s13+$0x0] =	vst.idx.add.f32.msk $0xffff, v6;
	v3 =	vshrl.u32 v13, $0x14  }
0x6f: {  	v35 =	vld [tilespmem:s20+$0x20];
	v3 =	vadd.s32 v1, v3  }
0x70: {  	v18 =	vand.u32 $0xFFFF0000, v61;
	v19 =	vshrl.u32 v13, $0x4;
	[tilespmem:v7+s12+$0x0] =	vst.idx.add.f32.msk $0xffff, v2  }
0x71: {  	v20 =	vand.u32 $0x7FF, v19;
	[tilespmem:v7+s13+$0x0] =	vst.idx.add.f32.msk $0xffff, v18  }
0x72: {  	v21 =	vshrl.u32 v17, $0x14;
	v5 =	vshll.u32 v61, $0x10;
	v7 =	vor.u32 v1, v20;
	[tilespmem:v4+s12+$0x0] =	vst.idx.add.f32.msk $0xffff, v2  }
0x73: {  	[tilespmem:v4+s13+$0x0] =	vst.idx.add.f32.msk $0xffff, v5;
	v4 =	vadd.s32 v1, v21  }
0x74: {  	v23 =	vand.u32 $0xFFFF0000, v13;
	v24 =	vshrl.u32 v17, $0x4;
	[tilespmem:v3+s12+$0x0] =	vst.idx.add.f32.msk $0xffff, v2  }
0x75: {  	[tilespmem:v3+s13+$0x0] =	vst.idx.add.f32.msk $0xffff, v23;
	v3 =	vand.u32 $0x7FF, v24  }
0x76: {  	v39 =	vld [tilespmem:s20+$0x30];
	v3 =	vor.u32 v1, v3  }
0x77: {  	[tilespmem:v7+s12+$0x0] =	vst.idx.add.f32.msk $0xffff, v2  }
0x78: {  	v25 =	vshrl.u32 v22, $0x14;
	v8 =	vshll.u32 v13, $0x10;
	[tilespmem:v4+s12+$0x0] =	vst.idx.add.f32.msk $0xffff, v2  }
0x79: {  	v27 =	vand.u32 $0xFFFF0000, v17;
	v28 =	vshrl.u32 v22, $0x4;
	[tilespmem:v7+s13+$0x0] =	vst.idx.add.f32.msk $0xffff, v8;
	v7 =	vadd.s32 v1, v25  }
0x7a: {  	v29 =	vand.u32 $0x7FF, v28;
	[tilespmem:v4+s13+$0x0] =	vst.idx.add.f32.msk $0xffff, v27  }
0x7b: {  	v6 =	vshll.u32 v17, $0x10;
	v4 =	vor.u32 v1, v29;
	[tilespmem:v3+s12+$0x0] =	vst.idx.add.f32.msk $0xffff, v2  }
0x7c: {  	[tilespmem:v3+s13+$0x0] =	vst.idx.add.f32.msk $0xffff, v6;
	v3 =	vshrl.u32 v26, $0x14  }
0x7d: {  	v43 =	vld [tilespmem:s20+$0x40];
	v3 =	vadd.s32 v1, v3  }
0x7e: {  	v31 =	vand.u32 $0xFFFF0000, v22;
	v32 =	vshrl.u32 v26, $0x4;
	[tilespmem:v7+s12+$0x0] =	vst.idx.add.f32.msk $0xffff, v2  }
0x7f: {  	v33 =	vand.u32 $0x7FF, v32;
	[tilespmem:v7+s13+$0x0] =	vst.idx.add.f32.msk $0xffff, v31  }
0x80: {  	v34 =	vshrl.u32 v30, $0x14;
	v5 =	vshll.u32 v22, $0x10;
	v7 =	vor.u32 v1, v33;
	[tilespmem:v4+s12+$0x0] =	vst.idx.add.f32.msk $0xffff, v2  }
0x81: {  	[tilespmem:v4+s13+$0x0] =	vst.idx.add.f32.msk $0xffff, v5;
	v4 =	vadd.s32 v1, v34  }
0x82: {  	v36 =	vand.u32 $0xFFFF0000, v26;
	v37 =	vshrl.u32 v30, $0x4;
	[tilespmem:v3+s12+$0x0] =	vst.idx.add.f32.msk $0xffff, v2  }
0x83: {  	[tilespmem:v3+s13+$0x0] =	vst.idx.add.f32.msk $0xffff, v36;
	v3 =	vand.u32 $0x7FF, v37  }
0x84: {  	v50 =	vld [tilespmem:s20+$0x60];
	v3 =	vor.u32 v1, v3  }
0x85: {  	[tilespmem:v7+s12+$0x0] =	vst.idx.add.f32.msk $0xffff, v2  }
0x86: {  	v38 =	vshrl.u32 v35, $0x14;
	v8 =	vshll.u32 v26, $0x10;
	[tilespmem:v4+s12+$0x0] =	vst.idx.add.f32.msk $0xffff, v2  }
0x87: {  	v40 =	vand.u32 $0xFFFF0000, v30;
	v41 =	vshrl.u32 v35, $0x4;
	[tilespmem:v7+s13+$0x0] =	vst.idx.add.f32.msk $0xffff, v8;
	v7 =	vadd.s32 v1, v38  }
0x88: {  	v42 =	vand.u32 $0x7FF, v41;
	[tilespmem:v4+s13+$0x0] =	vst.idx.add.f32.msk $0xffff, v40  }
0x89: {  	v6 =	vshll.u32 v30, $0x10;
	v4 =	vor.u32 v1, v42;
	[tilespmem:v3+s12+$0x0] =	vst.idx.add.f32.msk $0xffff, v2  }
0x8a: {  	[tilespmem:v3+s13+$0x0] =	vst.idx.add.f32.msk $0xffff, v6;
	v3 =	vshrl.u32 v39, $0x14  }
0x8b: {  	v48 =	vld [tilespmem:s20+$0x50];
	v3 =	vadd.s32 v1, v3  }
0x8c: {  	v44 =	vand.u32 $0xFFFF0000, v35;
	[tilespmem:v7+s12+$0x0] =	vst.idx.add.f32.msk $0xffff, v2  }
0x8d: {  	v45 =	vshrl.u32 v39, $0x4;
	v56 =	vshrl.u32 v50, $0x14;
	[tilespmem:v7+s13+$0x0] =	vst.idx.add.f32.msk $0xffff, v44  }
0x8e: {  	v46 =	vand.u32 $0x7FF, v45;
	v57 =	vadd.s32 v1, v56;
	v5 =	vshll.u32 v35, $0x10;
	[tilespmem:v4+s12+$0x0] =	vst.idx.add.f32.msk $0xffff, v2  }
0x8f: {  	v7 =	vor.u32 v1, v46;
	[tilespmem:v4+s13+$0x0] =	vst.idx.add.f32.msk $0xffff, v5  }
0x90: {  	v47 =	vshrl.u32 v43, $0x14;
	v49 =	vand.u32 $0xFFFF0000, v39;
	[tilespmem:v3+s12+$0x0] =	vst.idx.add.f32.msk $0xffff, v2  }
0x91: {  	v4 =	vadd.s32 v1, v47;
	[tilespmem:v3+s13+$0x0] =	vst.idx.add.f32.msk $0xffff, v49;
	v3 =	vshrl.u32 v43, $0x4  }
0x92: {  	v55 =	vld [tilespmem:s20+$0x70];
	v3 =	vand.u32 $0x7FF, v3  }
0x93: {  	[tilespmem:v57+s12+$0x0] =	vst.idx.add.f32.msk $0xffff, v2;
	v3 =	vor.u32 v1, v3  }
0x94: {  	v51 =	vshrl.u32 v48, $0x14;
	v8 =	vshll.u32 v39, $0x10;
	[tilespmem:v7+s12+$0x0] =	vst.idx.add.f32.msk $0xffff, v2  }
0x95: {  	v53 =	vshrl.u32 v48, $0x4;
	[tilespmem:v7+s13+$0x0] =	vst.idx.add.f32.msk $0xffff, v8;
	v7 =	vadd.s32 v1, v51  }
0x96: {  	v52 =	vand.u32 $0xFFFF0000, v43;
	v54 =	vand.u32 $0x7FF, v53;
	[tilespmem:v4+s12+$0x0] =	vst.idx.add.f32.msk $0xffff, v2  }
0x97: {  	[tilespmem:v4+s13+$0x0] =	vst.idx.add.f32.msk $0xffff, v52;
	v4 =	vor.u32 v1, v54  }
0x98: {  	v6 =	vshll.u32 v43, $0x10;
	[tilespmem:v3+s12+$0x0] =	vst.idx.add.f32.msk $0xffff, v2  }
0x99: {  	v59 =	vshrl.u32 v55, $0x14;
	[tilespmem:v3+s13+$0x0] =	vst.idx.add.f32.msk $0xffff, v6;
	v3 =	vshrl.u32 v50, $0x4  }
0x9a: {  	v58 =	vand.u32 $0xFFFF0000, v48;
	v61 =	vadd.s32 v1, v59;
	[tilespmem:v7+s12+$0x0] =	vst.idx.add.f32.msk $0xffff, v2;
	v3 =	vand.u32 $0x7FF, v3  }
0x9b: {  	[tilespmem:v7+s13+$0x0] =	vst.idx.add.f32.msk $0xffff, v58;
	v3 =	vor.u32 v1, v3  }
0x9c: {  	v60 =	vshrl.u32 v55, $0x4;
	v5 =	vshll.u32 v48, $0x10;
	[tilespmem:v4+s12+$0x0] =	vst.idx.add.f32.msk $0xffff, v2  }
0x9d: {  	v62 =	vand.u32 $0xFFFF0000, v50;
	[tilespmem:v4+s13+$0x0] =	vst.idx.add.f32.msk $0xffff, v5;
	v4 =	vand.u32 $0x7FF, v60  }
0x9e: {  	s19 =	sadd.s32 $0x10, s19;
	[tilespmem:v57+s13+$0x0] =	vst.idx.add.f32.msk $0xffff, v62;
	v4 =	vor.u32 v1, v4  }
0x9f: {  	p0 =	slt.u32 s19, $0x3F0;
	[tilespmem:v61+s12+$0x0] =	vst.idx.add.f32.msk $0xffff, v2  }
.Ltmp1:
0xa0: {  	v63 =	vshll.u32 v50, $0x10;
	[tilespmem:v3+s12+$0x0] =	vst.idx.add.f32.msk $0xffff, v2;
	(pc) =	sbr.rel @p0 .LBB2_5-.Ltmp1, $4  }
0xa1: {  	[tilespmem:v3+s13+$0x0] =	vst.idx.add.f32.msk $0xffff, v63;
	v3 =	vand.u32 $0xFFFF0000, v55  }
0xa2: {  	[tilespmem:v61+s13+$0x0] =	vst.idx.add.f32.msk $0xffff, v3  }
0xa3: {  	v3 =	vshll.u32 v55, $0x10;
	[tilespmem:v4+s12+$0x0] =	vst.idx.add.f32.msk $0xffff, v2  }
0xa4: {  	s20 =	sadd.s32 $0x100, s20;
	[tilespmem:v4+s13+$0x0] =	vst.idx.add.f32.msk $0xffff, v3  }
0xa5: {  	p0 =	seq.s32 s17, $0xF  }
0xa6: {  	_ =	swait.ge [sflag:s14], $0x4000;
	s18 =	sadd.s32 @!p0 s18, s6  }
0xa7: {  	[sflag:s14] =	ssyncset.done $0x0;
	s18 =	sshrl.u32 @!p0 s18, $0x3  }
0xa8: {  	s19 =	simm.s32 @!p0 $0x0;
	[sflag:s14] =	ssyncadd.s32 $0xFFFFC000;
	s18 =	sadd.s32 @!p0 s3, s18  }
0xa9: {  	[tilespmem:s19], [sflag:$0x1] =	stream.linear.gather @!p0 [hbm4b:s18+s19], $0x4000, $0x38;
	[tilespmem:$0x18000] =	vst v63  }
0xaa: {  	s18 =	simm.s32 $0xFFFFFFF0;
	s19 =	simm.s32 $0x4080  }
.LBB2_7:
0xab: {  	v3 =	vld [tilespmem:s19+$0xFFFFFF80];
	_ =	sdelay $0x3  }
0xac: {  	v5 =	vld [tilespmem:s19+$0xFFFFFF90]  }
0xad: {  	v8 =	vld [tilespmem:s19+$0xFFFFFFA0];
	v4 =	vshrl.u32 v3, $0x14  }
0xae: {  	v56 =	vld [tilespmem:s19+$0xFFFFFFB0];
	v6 =	vshrl.u32 v3, $0x4;
	v4 =	vadd.s32 v1, v4  }
0xaf: {  	v61 =	vld [tilespmem:s19+$0xFFFFFFC0];
	v6 =	vand.u32 $0x7FF, v6  }
0xb0: {  	v13 =	vld [tilespmem:s19+$0xFFFFFFD0];
	v6 =	vor.u32 v1, v6  }
0xb1: {  	v17 =	vld [tilespmem:s19+$0xFFFFFFE0]  }
0xb2: {  	v22 =	vld [tilespmem:s19+$0xFFFFFFF0];
	v7 =	vshrl.u32 v5, $0x14  }
0xb3: {  	v9 =	vand.u32 $0xFFFF0000, v3;
	v10 =	vshrl.u32 v5, $0x4;
	v7 =	vadd.s32 v1, v7;
	[tilespmem:v4+s12+$0x0] =	vst.idx.add.f32.msk $0xffff, v2  }
0xb4: {  	v55 =	vand.u32 $0x7FF, v10;
	[tilespmem:v4+s13+$0x0] =	vst.idx.add.f32.msk $0xffff, v9  }
0xb5: {  	v3 =	vshll.u32 v3, $0x10;
	v4 =	vor.u32 v1, v55;
	[tilespmem:v6+s12+$0x0] =	vst.idx.add.f32.msk $0xffff, v2  }
0xb6: {  	[tilespmem:v6+s13+$0x0] =	vst.idx.add.f32.msk $0xffff, v3;
	v3 =	vshrl.u32 v8, $0x14  }
0xb7: {  	v26 =	vld [tilespmem:s19+$0x0];
	v3 =	vadd.s32 v1, v3  }
0xb8: {  	v57 =	vand.u32 $0xFFFF0000, v5;
	v58 =	vshrl.u32 v8, $0x4;
	[tilespmem:v7+s12+$0x0] =	vst.idx.add.f32.msk $0xffff, v2  }
0xb9: {  	v59 =	vand.u32 $0x7FF, v58;
	[tilespmem:v7+s13+$0x0] =	vst.idx.add.f32.msk $0xffff, v57  }
0xba: {  	v5 =	vshll.u32 v5, $0x10;
	v7 =	vor.u32 v1, v59;
	[tilespmem:v4+s12+$0x0] =	vst.idx.add.f32.msk $0xffff, v2  }
0xbb: {  	v60 =	vshrl.u32 v56, $0x14;
	[tilespmem:v4+s13+$0x0] =	vst.idx.add.f32.msk $0xffff, v5  }
0xbc: {  	v62 =	vand.u32 $0xFFFF0000, v8;
	v63 =	vshrl.u32 v56, $0x4;
	v4 =	vadd.s32 v1, v60;
	[tilespmem:v3+s12+$0x0] =	vst.idx.add.f32.msk $0xffff, v2  }
0xbd: {  	[tilespmem:v3+s13+$0x0] =	vst.idx.add.f32.msk $0xffff, v62;
	v3 =	vand.u32 $0x7FF, v63  }
0xbe: {  	v30 =	vld [tilespmem:s19+$0x10];
	v3 =	vor.u32 v1, v3  }
0xbf: {  	v8 =	vshll.u32 v8, $0x10;
	[tilespmem:v7+s12+$0x0] =	vst.idx.add.f32.msk $0xffff, v2  }
0xc0: {  	v12 =	vshrl.u32 v61, $0x14;
	[tilespmem:v7+s13+$0x0] =	vst.idx.add.f32.msk $0xffff, v8  }
0xc1: {  	v14 =	vand.u32 $0xFFFF0000, v56;
	v15 =	vshrl.u32 v61, $0x4;
	[tilespmem:v4+s12+$0x0] =	vst.idx.add.f32.msk $0xffff, v2;
	v7 =	vadd.s32 v1, v12  }
0xc2: {  	v16 =	vand.u32 $0x7FF, v15;
	[tilespmem:v4+s13+$0x0] =	vst.idx.add.f32.msk $0xffff, v14  }
0xc3: {  	v6 =	vshll.u32 v56, $0x10;
	v4 =	vor.u32 v1, v16;
	[tilespmem:v3+s12+$0x0] =	vst.idx.add.f32.msk $0xffff, v2  }
0xc4: {  	[tilespmem:v3+s13+$0x0] =	vst.idx.add.f32.msk $0xffff, v6;
	v3 =	vshrl.u32 v13, $0x14  }
0xc5: {  	v35 =	vld [tilespmem:s19+$0x20];
	v3 =	vadd.s32 v1, v3  }
0xc6: {  	v18 =	vand.u32 $0xFFFF0000, v61;
	v19 =	vshrl.u32 v13, $0x4;
	[tilespmem:v7+s12+$0x0] =	vst.idx.add.f32.msk $0xffff, v2  }
0xc7: {  	v20 =	vand.u32 $0x7FF, v19;
	[tilespmem:v7+s13+$0x0] =	vst.idx.add.f32.msk $0xffff, v18  }
0xc8: {  	v21 =	vshrl.u32 v17, $0x14;
	v5 =	vshll.u32 v61, $0x10;
	v7 =	vor.u32 v1, v20;
	[tilespmem:v4+s12+$0x0] =	vst.idx.add.f32.msk $0xffff, v2  }
0xc9: {  	[tilespmem:v4+s13+$0x0] =	vst.idx.add.f32.msk $0xffff, v5;
	v4 =	vadd.s32 v1, v21  }
0xca: {  	v23 =	vand.u32 $0xFFFF0000, v13;
	v24 =	vshrl.u32 v17, $0x4;
	[tilespmem:v3+s12+$0x0] =	vst.idx.add.f32.msk $0xffff, v2  }
0xcb: {  	[tilespmem:v3+s13+$0x0] =	vst.idx.add.f32.msk $0xffff, v23;
	v3 =	vand.u32 $0x7FF, v24  }
0xcc: {  	v39 =	vld [tilespmem:s19+$0x30];
	v3 =	vor.u32 v1, v3  }
0xcd: {  	[tilespmem:v7+s12+$0x0] =	vst.idx.add.f32.msk $0xffff, v2  }
0xce: {  	v25 =	vshrl.u32 v22, $0x14;
	v8 =	vshll.u32 v13, $0x10;
	[tilespmem:v4+s12+$0x0] =	vst.idx.add.f32.msk $0xffff, v2  }
0xcf: {  	v27 =	vand.u32 $0xFFFF0000, v17;
	v28 =	vshrl.u32 v22, $0x4;
	[tilespmem:v7+s13+$0x0] =	vst.idx.add.f32.msk $0xffff, v8;
	v7 =	vadd.s32 v1, v25  }
0xd0: {  	v29 =	vand.u32 $0x7FF, v28;
	[tilespmem:v4+s13+$0x0] =	vst.idx.add.f32.msk $0xffff, v27  }
0xd1: {  	v6 =	vshll.u32 v17, $0x10;
	v4 =	vor.u32 v1, v29;
	[tilespmem:v3+s12+$0x0] =	vst.idx.add.f32.msk $0xffff, v2  }
0xd2: {  	[tilespmem:v3+s13+$0x0] =	vst.idx.add.f32.msk $0xffff, v6;
	v3 =	vshrl.u32 v26, $0x14  }
0xd3: {  	v43 =	vld [tilespmem:s19+$0x40];
	v3 =	vadd.s32 v1, v3  }
0xd4: {  	v31 =	vand.u32 $0xFFFF0000, v22;
	v32 =	vshrl.u32 v26, $0x4;
	[tilespmem:v7+s12+$0x0] =	vst.idx.add.f32.msk $0xffff, v2  }
0xd5: {  	v33 =	vand.u32 $0x7FF, v32;
	[tilespmem:v7+s13+$0x0] =	vst.idx.add.f32.msk $0xffff, v31  }
0xd6: {  	v34 =	vshrl.u32 v30, $0x14;
	v5 =	vshll.u32 v22, $0x10;
	v7 =	vor.u32 v1, v33;
	[tilespmem:v4+s12+$0x0] =	vst.idx.add.f32.msk $0xffff, v2  }
0xd7: {  	[tilespmem:v4+s13+$0x0] =	vst.idx.add.f32.msk $0xffff, v5;
	v4 =	vadd.s32 v1, v34  }
0xd8: {  	v36 =	vand.u32 $0xFFFF0000, v26;
	v37 =	vshrl.u32 v30, $0x4;
	[tilespmem:v3+s12+$0x0] =	vst.idx.add.f32.msk $0xffff, v2  }
0xd9: {  	[tilespmem:v3+s13+$0x0] =	vst.idx.add.f32.msk $0xffff, v36;
	v3 =	vand.u32 $0x7FF, v37  }
0xda: {  	v50 =	vld [tilespmem:s19+$0x60];
	v3 =	vor.u32 v1, v3  }
0xdb: {  	[tilespmem:v7+s12+$0x0] =	vst.idx.add.f32.msk $0xffff, v2  }
0xdc: {  	v38 =	vshrl.u32 v35, $0x14;
	v8 =	vshll.u32 v26, $0x10;
	[tilespmem:v4+s12+$0x0] =	vst.idx.add.f32.msk $0xffff, v2  }
0xdd: {  	v40 =	vand.u32 $0xFFFF0000, v30;
	v41 =	vshrl.u32 v35, $0x4;
	[tilespmem:v7+s13+$0x0] =	vst.idx.add.f32.msk $0xffff, v8;
	v7 =	vadd.s32 v1, v38  }
0xde: {  	v42 =	vand.u32 $0x7FF, v41;
	[tilespmem:v4+s13+$0x0] =	vst.idx.add.f32.msk $0xffff, v40  }
0xdf: {  	v6 =	vshll.u32 v30, $0x10;
	v4 =	vor.u32 v1, v42;
	[tilespmem:v3+s12+$0x0] =	vst.idx.add.f32.msk $0xffff, v2  }
0xe0: {  	[tilespmem:v3+s13+$0x0] =	vst.idx.add.f32.msk $0xffff, v6;
	v3 =	vshrl.u32 v39, $0x14  }
0xe1: {  	v48 =	vld [tilespmem:s19+$0x50];
	v3 =	vadd.s32 v1, v3  }
0xe2: {  	v44 =	vand.u32 $0xFFFF0000, v35;
	[tilespmem:v7+s12+$0x0] =	vst.idx.add.f32.msk $0xffff, v2  }
0xe3: {  	v45 =	vshrl.u32 v39, $0x4;
	v56 =	vshrl.u32 v50, $0x14;
	[tilespmem:v7+s13+$0x0] =	vst.idx.add.f32.msk $0xffff, v44  }
0xe4: {  	v46 =	vand.u32 $0x7FF, v45;
	v57 =	vadd.s32 v1, v56;
	v5 =	vshll.u32 v35, $0x10;
	[tilespmem:v4+s12+$0x0] =	vst.idx.add.f32.msk $0xffff, v2  }
0xe5: {  	v7 =	vor.u32 v1, v46;
	[tilespmem:v4+s13+$0x0] =	vst.idx.add.f32.msk $0xffff, v5  }
0xe6: {  	v47 =	vshrl.u32 v43, $0x14;
	v49 =	vand.u32 $0xFFFF0000, v39;
	[tilespmem:v3+s12+$0x0] =	vst.idx.add.f32.msk $0xffff, v2  }
0xe7: {  	v4 =	vadd.s32 v1, v47;
	[tilespmem:v3+s13+$0x0] =	vst.idx.add.f32.msk $0xffff, v49;
	v3 =	vshrl.u32 v43, $0x4  }
0xe8: {  	v55 =	vld [tilespmem:s19+$0x70];
	v3 =	vand.u32 $0x7FF, v3  }
0xe9: {  	[tilespmem:v57+s12+$0x0] =	vst.idx.add.f32.msk $0xffff, v2;
	v3 =	vor.u32 v1, v3  }
0xea: {  	v51 =	vshrl.u32 v48, $0x14;
	v8 =	vshll.u32 v39, $0x10;
	[tilespmem:v7+s12+$0x0] =	vst.idx.add.f32.msk $0xffff, v2  }
0xeb: {  	v53 =	vshrl.u32 v48, $0x4;
	[tilespmem:v7+s13+$0x0] =	vst.idx.add.f32.msk $0xffff, v8;
	v7 =	vadd.s32 v1, v51  }
0xec: {  	v52 =	vand.u32 $0xFFFF0000, v43;
	v54 =	vand.u32 $0x7FF, v53;
	[tilespmem:v4+s12+$0x0] =	vst.idx.add.f32.msk $0xffff, v2  }
0xed: {  	[tilespmem:v4+s13+$0x0] =	vst.idx.add.f32.msk $0xffff, v52;
	v4 =	vor.u32 v1, v54  }
0xee: {  	v6 =	vshll.u32 v43, $0x10;
	[tilespmem:v3+s12+$0x0] =	vst.idx.add.f32.msk $0xffff, v2  }
0xef: {  	v59 =	vshrl.u32 v55, $0x14;
	[tilespmem:v3+s13+$0x0] =	vst.idx.add.f32.msk $0xffff, v6;
	v3 =	vshrl.u32 v50, $0x4  }
0xf0: {  	v58 =	vand.u32 $0xFFFF0000, v48;
	v61 =	vadd.s32 v1, v59;
	[tilespmem:v7+s12+$0x0] =	vst.idx.add.f32.msk $0xffff, v2;
	v3 =	vand.u32 $0x7FF, v3  }
0xf1: {  	[tilespmem:v7+s13+$0x0] =	vst.idx.add.f32.msk $0xffff, v58;
	v3 =	vor.u32 v1, v3  }
0xf2: {  	v60 =	vshrl.u32 v55, $0x4;
	v5 =	vshll.u32 v48, $0x10;
	[tilespmem:v4+s12+$0x0] =	vst.idx.add.f32.msk $0xffff, v2  }
0xf3: {  	v62 =	vand.u32 $0xFFFF0000, v50;
	[tilespmem:v4+s13+$0x0] =	vst.idx.add.f32.msk $0xffff, v5;
	v4 =	vand.u32 $0x7FF, v60  }
0xf4: {  	s18 =	sadd.s32 $0x10, s18;
	[tilespmem:v57+s13+$0x0] =	vst.idx.add.f32.msk $0xffff, v62;
	v4 =	vor.u32 v1, v4  }
0xf5: {  	p0 =	slt.u32 s18, $0x3F0;
	[tilespmem:v61+s12+$0x0] =	vst.idx.add.f32.msk $0xffff, v2  }
.Ltmp2:
0xf6: {  	v63 =	vshll.u32 v50, $0x10;
	[tilespmem:v3+s12+$0x0] =	vst.idx.add.f32.msk $0xffff, v2;
	(pc) =	sbr.rel @p0 .LBB2_7-.Ltmp2, $4  }
0xf7: {  	[tilespmem:v3+s13+$0x0] =	vst.idx.add.f32.msk $0xffff, v63;
	v3 =	vand.u32 $0xFFFF0000, v55  }
0xf8: {  	[tilespmem:v61+s13+$0x0] =	vst.idx.add.f32.msk $0xffff, v3  }
0xf9: {  	v3 =	vshll.u32 v55, $0x10;
	[tilespmem:v4+s12+$0x0] =	vst.idx.add.f32.msk $0xffff, v2  }
0xfa: {  	s19 =	sadd.s32 $0x100, s19;
	[tilespmem:v4+s13+$0x0] =	vst.idx.add.f32.msk $0xffff, v3  }
0xfb: {  	s17 =	sadd.s32 $0x1, s17  }
0xfc: {  	p0 =	sne.s32 s17, $0x10  }
.Ltmp3:
0xfd: {  	_ = 	snop;
	(pc) =	sbr.rel @p0 .LBB2_4-.Ltmp3, $1  }
0xfe: {  	_ =	sdelay $0x3  }
0xff: {  	[hbm4b:s7+s2] =	stream.linear.scatter [tilespmem:s12], [sflag:$0x3], $0x8000, $0x38;
	[tilespmem:$0x18000] =	vst v63  }
0x100: {  	s16 =	sadd.s32 $0x1, s16;
	_ =	swait.ge [sflag:s15], $0x8000  }
0x101: {  	p0 =	sne.s32 s16, s9;
	[sflag:s15] =	ssyncset.done $0x0  }
.Ltmp4:
0x102: {  	[sflag:s15] =	ssyncadd.s32 $0xFFFF8000;
	(pc) =	sbr.rel @p0 .LBB2_1-.Ltmp4, $4  }
0x103: {  	[hbm4b:s8+s2] =	stream.linear.scatter [tilespmem:s13], [sflag:$0x3], $0x8000, $0x38;
	[tilespmem:$0x18000] =	vst v63  }
0x104: {  	_ =	swait.ge [sflag:s15], $0x8000  }
0x105: {  	[sflag:s15] =	ssyncset.done $0x0  }
0x106: {  	[sflag:s15] =	ssyncadd.s32 $0xFFFF8000  }
0x107: {  	_ =	sfence.sel $0x180000  }
0x108: {  	[bflag:$0x0] =	sbarrier.arrive $0xFFFF  }
0x109: {  	p0 =	sne.s32 s1, $0x0;
	_ =	strace $0x9000004A  }
0x10a: {  	s0 =	sadd.s32 @!p0 $0x100000, s0;
	[bflag:$0x2] =	sbarrier.arrive $0xFFFF  }
0x10b: {  	[sflag:s0] =	ssyncadd.tile.s32 @!p0 $0x1;
	_ =	shalt  }
.Lfunc_end2:
_tile_overlayer_lowered:
.L_overlay_start_2:
0x10c: {  	(tag) =	ssettag $0x2  }
0x10d: {  	s0 =	rddreg [dreg:$0x0];
	s2 =	stileid.u32  }
0x10e: {  	s1 =	rddreg [dreg:$0x1];
	p0 =	sne.s32 s2, $0x0  }
0x10f: {  	s3 =	rddreg [dreg:$0x2];
	[bflag:$0x3] =	sbarrier.arrive $0xFFFF;
	s2 =	simm.s32 @!p0 $0x1C03  }
0x110: {  	[timem:s3], [sflag:s2] =	dma.local @!p0 [hbm:s0], s1  }
0x111: {  	s0 =	simm.s32 @!p0 $0x3  }
0x112: {  	_ =	swait.ge @!p0 [sflag:s0], s1  }
0x113: {  	s1 =	ssub.s32 @!p0 $0x0, s1;
	[sflag:s0] =	ssyncset.done @!p0 $0x0  }
0x114: {  	[sflag:s0] =	ssyncadd.s32 @!p0 s1  }
0x115: {  	[bflag:$0x3] =	sbarrier.arrive $0xFFFF  }
0x116: {  	_ =	shalt  }

// kernel: sparse-core-data-format-call.cloned.1.call-start
scs
called_computation_lowered:
.L_overlay_start_0:
0x0: {  	s1 =	sld [smem:$0x3FD9]  }
0x1: {  	s2 =	sld [smem:$0x3FFE];
	_ =	sdelay $0x1  }
0x2: {  	s3 =	srdreg.scid  }
0x3: {  	s0 =	sand.u32 $0x1, s3  }
0x4: {  	s17 =	sshll.u32 s0, $0xA;
	s1 =	sadd.s32 s2, s1  }
0x5: {  	s1 =	sadd.s32 s1, s17  }
0x6: {  	[smem:$0x3FC6] =	sst s1  }
0x7: {  	_ = 	snop  }
0x8: {  	(tm) =	ssettm $0x1  }
0x9: {  	s18 =	sld [smem:$0x3FFB];
	_ =	sdelay $0x3  }
0xa: {  	_ =	strace s18  }
0xb: {  	s1 =	sld [smem:$0x3FFC];
	_ =	sdelay $0x3  }
0xc: {  	_ =	strace s1  }
0xd: {  	s1 =	sld [smem:$0x3FFD];
	_ =	sdelay $0x3  }
0xe: {  	_ =	strace s1  }
0xf: {  	_ =	strace $0x8FFFFFFF  }
0x10: {  	s19 =	sld [smem:$0x3FDB];
	_ =	sdelay $0x1  }
0x11: {  	s20 =	simm.s32 $_scs_section_size  }
0x12: {  	s4 =	simm.s32 $_size__tile_overlayer_lowered;
	s5 =	simm.s32 $_tile_overlayer_lowered  }
0x13: {  	s23 =	simm.s32 $0x1BFF;
	s22 =	sshll.u32 s5, $0x1;
	s1 =	sadd.s32 s20, s19  }
0x14: {  	s6 =	simm.s32 $0x0;
	s21 =	sshll.u32 s4, $0x1;
	s4 =	sadd.s32 s22, s1  }
0x15: {  	[timem:s6], [sflag:s23] =	dma.local [hbm:s4], s21  }
0x16: {  	_ =	swait.ge [sflag:s23], s21  }
0x17: {  	s2 =	ssub.s32 $0x0, s21;
	[sflag:s23] =	ssyncset.done $0x0  }
0x18: {  	[sflag:s23] =	ssyncadd.s32 s2;
	_ =	sdelay $0x1  }
0x19: {  	s24 =	simm.s32 $0x1B8B  }
0x1a: {  	_ =	swait.ge [sflag:s24], $0x1  }
0x1b: {  	[sflag:s24] =	ssyncset.done $0x0  }
0x1c: {  	s26 =	simm.s32 $0x1B8E;
	s25 =	sld [smem:$0x3FFE];
	[sflag:s24] =	ssyncadd.s32 $0xFFFFFFFF  }
0x1d: {  	s27 =	simm.s32 $execute0_lowered;
	[smem:$0x3FD2] =	sst s26  }
0x1e: {  	s4 =	sshll.u32 s27, $0x1;
	_ =	strace $0x80000046;
	[dreg:$0x1] =	wrdreg $0xFFFFFFFF  }
0x1f: {  	s28 =	simm.s32 $_size_execute0_lowered;
	s1 =	sadd.s32 s1, s4;
	[dreg:$0x0] =	wrdreg $0x0  }
0x20: {  	s4 =	sshll.u32 s28, $0x1;
	[dreg:$0x2] =	wrdreg s1  }
0x21: {  	[dreg:$0x3] =	wrdreg s4  }
0x22: {  	[dreg:$0x4] =	wrdreg $0xC0  }
0x23: {  	_ =	task [dreg:s6], $0x5FFFF  }
0x24: {  	[dreg:$0x1] =	wrdreg $0xFFFFFFFF  }
0x25: {  	[dreg:$0x0] =	wrdreg $0x60  }
0x26: {  	[dreg:$0x2] =	wrdreg s25  }
0x27: {  	[dreg:$0x3] =	wrdreg $0x9  }
0x28: {  	_ =	task.clear_ibuf [dreg:s6], $0x4FFFF;
	_ =	strace $0x90000046  }
0x29: {  	s29 =	simm.s32 $0x9;
	_ =	strace $0x80000048  }
0x2a: {  	_ =	swait.ge [sflag:s29], $0x1  }
0x2b: {  	[sflag:s29] =	ssyncadd.s32 $0xFFFFFFFF  }
0x2c: {  	_ =	strace $0x90000048  }
0x2d: {  	_ =	sfence  }
0x2e: {  	s30 =	sld [smem:$0x0];
	_ =	sdelay $0x2  }
0x2f: {  	s31 =	sshll.u32 s3, $0xD;
	s3 =	sshrl.u32 s3, $0x2  }
0x30: {  	s2 =	sand.u32 $0x4000, s31;
	s1 =	sadd.s32 s3, s30  }
0x31: {  	s0 =	sor.u32 s2, s0;
	s1 =	sshll.u32 s1, $0x11  }
0x32: {  	s0 =	sor.u32 s1, s0  }
0x33: {  	s0 =	sadd.s32 $0x8F2B, s0  }
0x34: {  	[sflag:s0] =	ssyncadd.remote.s32 $0x1  }
0x35: {  	_ =	sfence.sel $0xFFFF  }
0x36: {  	[dreg:$0x0] =	wrdreg $0xFFFFFFFF;
	(pc) =	sbr.abs _section_cstart, $3  }
0x37: {  	[dreg:$0x1] =	wrdreg $0xFFFFFFFF  }
0x38: {  	_ =	task.clear_ibuf [dreg:s6], $0x2FFFF;
	_ =	strace $0x9FFFFFFF  }
0x39: {  	(tm) =	ssettm $0x7FFFFFFF  }
tec
execute0_lowered:
.L_overlay_start_1:
0x0: {  	(tag) =	ssettag $0x1  }
0x1: {  	s0 =	srdreg.scid  }
0x2: {  	s1 =	sshll.u32 s0, $0x4  }
0x3: {  	s4 =	rddreg [dreg:$0x0];
	s0 =	stileid.u32;
	s1 =	sand.u32 $0x10, s1  }
0x4: {  	s7 =	simm.s32 $0x1;
	s8 =	simm.s32 $0x2;
	s1 =	sor.u32 s0, s1  }
0x5: {  	s9 =	simm.s32 $0x0;
	s12 =	simm.s32 $0x0;
	s2 =	sshll.u32 s1, $0x1  }
0x6: {  	s11 =	simm.s32 $0x0;
	s3 =	sadd.s32 $0xC00, s4;
	s6 =	ssub.s32 $0x800, s2  }
.Ltmp0:
0x7: {  	s4 =	sadd.s32 $0x200C00, s4;
	s5 =	sand.u32 $0x3E, s6;
	(pc) =	sbr.rel .LBB1_1-.Ltmp0, $4  }
0x8: {  	s1 =	rddreg [dreg:$0x1];
	_ =	strace $0x80000047;
	p0 =	sne.s32 s5, $0x0  }
0x9: {  	s6 =	sshrl.u32 s6, $0x6;
	s5 =	simm.s32 $0x1;
	s7 =	simm.s32 @!p0 $0x0  }
0xa: {  	s10 =	smov.u32 s2;
	[sflag:s5] =	ssyncpa.u1 $0x0;
	s6 =	sadd.s32 s7, s6  }
0xb: {  	[sflag:s8] =	ssyncpa.u1 $0x0;
	s8 =	simm.s32 $0x0;
	s7 =	sadd.s32 $0x1, s6  }
.LBB1_9:
0xc: {  	s14 =	sadd.s32 $0x40, s10  }
0xd: {  	p1 =	sgt.s32 s14, $0x7FF  }
0xe: {  	s14 =	smov.u32 @p1 s2;
	p1 =	sne.s32 s11, s7  }
.Ltmp1:
0xf: {  	p0 =	slt.u32 s11, $0x2;
	(pc) =	sbr.rel @!p1 .LBB1_10-.Ltmp1, $4  }
0x10: {  	s13 =	simm.s32 @!p0 $0x2  }
0x11: {  	s15 =	sadd.s32 $0x1, s11;
	_ =	swait.ge @!p0 [sflag:s13], $0x4000  }
0x12: {  	s12 =	smov.u32 s10;
	s9 =	sadd.s32 $0x4000, s9;
	[sflag:s13] =	ssyncset.done @!p0 $0x0  }
0x13: {  	s11 =	smov.u32 s15;
	s10 =	smov.u32 s14;
	[sflag:s13] =	ssyncadd.s32 @!p0 $0xFFFFC000  }
.LBB1_1:
0x14: {  	p0 =	sge.u32 s11, s6  }
0x15: {  	s13 =	sxor.u32 @!p0 $0xFFFFFFFF, s11  }
0x16: {  	s31 =	sadd.s32 $0xFFFFFFFF, s11;
	s14 =	sshll.u32 @!p0 s10, $0xA;
	s13 =	sshll.u32 @!p0 s13, $0xE  }
0x17: {  	s15 =	simm.s32 @!p0 $0x0;
	s14 =	sadd.s32 @!p0 s3, s14;
	s13 =	sand.u32 @!p0 $0x4000, s13  }
0x18: {  	[tilespmem:s13], [sflag:$0x1] =	stream.linear.gather @!p0 [hbm4b:s14+s15], $0x4000, $0x38;
	[tilespmem:$0x10000] =	vst v63  }
0x19: {  	p0 =	sge.u32 s31, s6  }
.Ltmp2:
0x1a: {  	_ = 	snop;
	(pc) =	sbr.rel @p0 .LBB1_9-.Ltmp2, $1  }
0x1b: {  	_ =	sdelay $0x3  }
0x1c: {  	s13 =	sshll.u32 s9, $0x2  }
0x1d: {  	_ =	swait.ge [sflag:s5], $0x4000;
	s14 =	sshll.u32 s11, $0xE;
	s16 =	simm.s32 $0x0  }
0x1e: {  	p1 =	por $0x1, $0x1;
	s13 =	sand.u32 $0x10000, s13;
	[sflag:s5] =	ssyncset.done $0x0  }
0x1f: {  	s14 =	sand.u32 $0x4000, s14;
	s15 =	sshrl.u32 s13, $0x2;
	[sflag:s5] =	ssyncadd.s32 $0xFFFFC000  }
0x20: {  	s13 =	sor.u32 $0x8000, s14;
	s14 =	sadd.s32 $0x8040, s15;
	s15 =	sadd.s32 $0x40, s15  }
.LBB1_3:
0x21: {  	s16 =	sshll.u32 s16, $0x2  }
0x22: {  	p0 =	por p1, p1;
	s17 =	sshra.s32 s16, $0x2  }
0x23: {  	s18 =	simm.s32 $0x0;
	s16 =	sadd.s32 s17, s14;
	s17 =	sadd.s32 s17, s15  }
.LBB1_4:
0x24: {  	v0 =	vmov s17;
	_ =	sdelay $0x3  }
0x25: {  	s20 =	simm.s32 $0x0  }
0x26: {  	v6 =	vld.idx.msk [tilespmem:v0+s20+$0x30 ss:$0x1], $0xffff  }
0x27: {  	v7 =	vld.idx.msk [tilespmem:v0+s20+$0xFFFFFFC0 ss:$0x1], $0xffff  }
0x28: {  	v5 =	vld.idx.msk [tilespmem:v0+s20+$0xFFFFFFD0 ss:$0x1], $0xffff  }
0x29: {  	v4 =	vld.idx.msk [tilespmem:v0+s20+$0xFFFFFFE0 ss:$0x1], $0xffff  }
0x2a: {  	v3 =	vld.idx.msk [tilespmem:v0+s20+$0xFFFFFFF0 ss:$0x1], $0xffff  }
0x2b: {  	v1 =	vld.idx.msk [tilespmem:v0+s20+$0x0 ss:$0x1], $0xffff  }
0x2c: {  	v2 =	vld.idx.msk [tilespmem:v0+s20+$0x10 ss:$0x1], $0xffff;
	[tilespmem:s16+$0x30] =	vst v6  }
0x2d: {  	s19 =	simm.s32 $0x80;
	s21 =	simm.s32 $0x400;
	[tilespmem:s16+$0xFFFFFFC0] =	vst v7;
	v6 =	vld.idx.msk [tilespmem:v0+s20+$0x20 ss:$0x1], $0xffff;
	s20 =	smov.u32 s16  }
.LBB1_5:
0x2e: {  	p1 =	sne.s32 s21, $0xE00;
	v7 =	vld.idx.msk [tilespmem:v0+s19+$0x30 ss:$0x1], $0xffff;
	[tilespmem:s20+$0xFFFFFFD0] =	vst v5  }
0x2f: {  	v8 =	vld.idx.msk [tilespmem:v0+s19+$0xFFFFFFC0 ss:$0x1], $0xffff;
	[tilespmem:s20+$0xFFFFFFE0] =	vst v4  }
0x30: {  	v5 =	vld.idx.msk [tilespmem:v0+s19+$0xFFFFFFD0 ss:$0x1], $0xffff;
	[tilespmem:s20+$0xFFFFFFF0] =	vst v3  }
.Ltmp3:
0x31: {  	v4 =	vld.idx.msk [tilespmem:v0+s19+$0xFFFFFFE0 ss:$0x1], $0xffff;
	[tilespmem:s20+$0x0] =	vst v1;
	(pc) =	sbr.rel @p1 .LBB1_5-.Ltmp3, $4  }
0x32: {  	v3 =	vld.idx.msk [tilespmem:v0+s19+$0xFFFFFFF0 ss:$0x1], $0xffff;
	[tilespmem:s20+$0x10] =	vst v2  }
0x33: {  	v1 =	vld.idx.msk [tilespmem:v0+s19+$0x0 ss:$0x1], $0xffff;
	[tilespmem:s20+$0x20] =	vst v6;
	s20 =	sadd.s32 $0x400, s20  }
0x34: {  	v2 =	vld.idx.msk [tilespmem:v0+s19+$0x10 ss:$0x1], $0xffff;
	[tilespmem:s20+$0x30] =	vst v7  }
0x35: {  	[tilespmem:s20+$0xFFFFFFC0] =	vst v8;
	v6 =	vld.idx.msk [tilespmem:v0+s19+$0x20 ss:$0x1], $0xffff;
	s19 =	sshra.s32 s21, $0x2;
	s21 =	sadd.s32 $0x200, s21  }
0x36: {  	_ =	sdelay $0x2  }
0x37: {  	[tilespmem:s20+$0xFFFFFFD0] =	vst v5  }
0x38: {  	v56 =	vld.idx.msk [tilespmem:v0+s19+$0x30 ss:$0x1], $0xffff;
	[tilespmem:s20+$0xFFFFFFE0] =	vst v4  }
0x39: {  	v57 =	vld.idx.msk [tilespmem:v0+s19+$0xFFFFFFC0 ss:$0x1], $0xffff;
	[tilespmem:s20+$0xFFFFFFF0] =	vst v3  }
0x3a: {  	v58 =	vld.idx.msk [tilespmem:v0+s19+$0xFFFFFFD0 ss:$0x1], $0xffff;
	[tilespmem:s20+$0x0] =	vst v1  }
0x3b: {  	v59 =	vld.idx.msk [tilespmem:v0+s19+$0xFFFFFFE0 ss:$0x1], $0xffff;
	[tilespmem:s20+$0x10] =	vst v2  }
0x3c: {  	v60 =	vld.idx.msk [tilespmem:v0+s19+$0xFFFFFFF0 ss:$0x1], $0xffff;
	s31 =	sadd.s32 $0x400, s20;
	[tilespmem:s20+$0x20] =	vst v6  }
0x3d: {  	v61 =	vld.idx.msk [tilespmem:v0+s19+$0x0 ss:$0x1], $0xffff;
	[tilespmem:s31+$0x30] =	vst v56  }
0x3e: {  	v62 =	vld.idx.msk [tilespmem:v0+s19+$0x10 ss:$0x1], $0xffff;
	s18 =	sadd.s32 $0x1, s18;
	[tilespmem:s31+$0xFFFFFFC0] =	vst v57  }
0x3f: {  	v63 =	vld.idx.msk [tilespmem:v0+s19+$0x20 ss:$0x1], $0xffff;
	p1 =	sne.s32 s18, $0x8;
	[tilespmem:s31+$0xFFFFFFD0] =	vst v58  }
.Ltmp4:
0x40: {  	[tilespmem:s31+$0xFFFFFFE0] =	vst v59;
	(pc) =	sbr.rel @p1 .LBB1_4-.Ltmp4, $4  }
0x41: {  	[tilespmem:s31+$0xFFFFFFF0] =	vst v60  }
0x42: {  	[tilespmem:s31+$0x0] =	vst v61  }
0x43: {  	[tilespmem:s31+$0x10] =	vst v62  }
0x44: {  	s16 =	sadd.s32 $0x80, s16;
	s17 =	sadd.s32 $0x400, s17;
	[tilespmem:s31+$0x20] =	vst v63  }
.Ltmp5:
0x45: {  	(pc) =	sbr.rel @p0 .LBB1_3-.Ltmp5, $2  }
0x46: {  	_ =	sdelay $0x2  }
0x47: {  	s16 =	simm.s32 $0x2000;
	p1 =	por $0x0, $0x0  }
.Ltmp6:
0x48: {  	(pc) =	sbr.rel .LBB1_9-.Ltmp6, $4  }
0x49: {  	_ = 	snop  }
0x4a: {  	s12 =	sshll.u32 s12, $0xA  }
0x4b: {  	s12 =	sadd.s32 s4, s12  }
0x4c: {  	[hbm4b:s12+s8] =	stream.linear.scatter [tilespmem:s13], [sflag:$0x2], $0x4000, $0x38;
	[tilespmem:$0x10000] =	vst v63  }
.LBB1_10:
0x4d: {  	_ =	sfence.sel $0x180000  }
0x4e: {  	s2 =	simm.s32 $0x1;
	[bflag:$0x0] =	sbarrier.arrive $0xFFFF  }
0x4f: {  	s31 =	simm.s32 $0x2;
	[sflag:s2] =	ssyncpa.u1 $0x1  }
0x50: {  	[sflag:s31] =	ssyncpa.u1 $0x1  }
0x51: {  	p0 =	sne.s32 s0, $0x0;
	_ =	strace $0x90000047  }
0x52: {  	s0 =	sadd.s32 @!p0 $0x100000, s1;
	[bflag:$0x2] =	sbarrier.arrive $0xFFFF  }
0x53: {  	[sflag:s0] =	ssyncadd.tile.s32 @!p0 $0x1;
	_ =	shalt  }
.Lfunc_end1:
_tile_overlayer_lowered:
.L_overlay_start_2:
0x54: {  	(tag) =	ssettag $0x2  }
0x55: {  	s0 =	rddreg [dreg:$0x0];
	s2 =	stileid.u32  }
0x56: {  	s1 =	rddreg [dreg:$0x1];
	p0 =	sne.s32 s2, $0x0  }
0x57: {  	s3 =	rddreg [dreg:$0x2];
	[bflag:$0x3] =	sbarrier.arrive $0xFFFF;
	s2 =	simm.s32 @!p0 $0x1C01  }
0x58: {  	[timem:s3], [sflag:s2] =	dma.local @!p0 [hbm:s0], s1  }
0x59: {  	s0 =	simm.s32 @!p0 $0x1  }
0x5a: {  	_ =	swait.ge @!p0 [sflag:s0], s1  }
0x5b: {  	s1 =	ssub.s32 @!p0 $0x0, s1;
	[sflag:s0] =	ssyncset.done @!p0 $0x0  }
0x5c: {  	[sflag:s0] =	ssyncadd.s32 @!p0 s1  }
0x5d: {  	[bflag:$0x3] =	sbarrier.arrive $0xFFFF  }
0x5e: {  	_ =	shalt  }

</sc_bundles>
